<compile_context>
chip_gen: v7x
topology: tpu7x:2x2x1
jax: 0.10.2.dev20260603
libtpu: 0.0.44.dev20260713+nightly
codegen_flags: <defaults>
</compile_context>

<pallas_src>
import functools

import jax
import jax.numpy as jnp
from jax import lax
from jax.experimental import pallas as pl
from jax.experimental.pallas import tpu as pltpu
from jax.experimental.pallas import tpu_sc as plsc

F = 128
NC = 2
NS = 16
NW = NC * NS


def _make_scatter_stage(acc_rows: int, bt0: int, bt1: int, eb: int):
  rows_per_tile = acc_rows // NS
  assert acc_rows % NS == 0
  btmax = max(bt0, bt1)

  mesh = plsc.VectorSubcoreMesh(core_axis_name="c", subcore_axis_name="s")

  @functools.partial(
      pl.kernel,
      out_type=jax.ShapeDtypeStruct((NC, acc_rows, F), jnp.float32),
      mesh=mesh,
      scratch_types=[
          pltpu.VMEM((btmax, eb), jnp.int32),
          pltpu.VMEM((btmax, eb), jnp.int32),
          pltpu.VMEM((eb, F), jnp.float32),
          pltpu.VMEM_SHARED((acc_rows, F), jnp.float32),
          pltpu.SemaphoreType.DMA,
      ],
  )
  def scat(table_hbm, src_hbm, dst_hbm, zeros_hbm, out_hbm,
           src_v, dst_v, rows_a, acc_sh, sem_a):
    cid = lax.axis_index("c")
    sid = lax.axis_index("s")
    wid = cid * NS + sid
    pltpu.sync_copy(zeros_hbm.at[pl.ds(0, rows_per_tile)],
                    acc_sh.at[pl.ds(sid * rows_per_tile, rows_per_tile)])
    pltpu.sync_copy(src_hbm.at[wid], src_v)
    pltpu.sync_copy(dst_hbm.at[wid], dst_v)
    plsc.subcore_barrier()

    def body(b, carry):
      pltpu.async_copy(table_hbm.at[src_v.at[b]], rows_a, sem_a).wait()
      pltpu.sync_copy(rows_a, acc_sh.at[dst_v.at[b]], add=True)
      return carry

    nb = jnp.where(cid == 0, bt0, bt1)
    lax.fori_loop(0, nb, body, 0)
    plsc.subcore_barrier()
    pltpu.sync_copy(acc_sh.at[pl.ds(sid * rows_per_tile, rows_per_tile)],
                    out_hbm.at[cid, pl.ds(sid * rows_per_tile, rows_per_tile)])

  return scat


def _combine_body(parts_ref, o_ref):
  o_ref[...] = parts_ref[0] + parts_ref[1]


def _final_body(x_ref, v_ref, w_ref, eps_ref, o_ref):
  a = (1.0 + eps_ref[0, 0]) * x_ref[...] + v_ref[0] + v_ref[1]
  o_ref[...] = jnp.dot(a, w_ref[...], preferred_element_type=jnp.float32)


def kernel(X, g1_src, g1_dst, g2_src, g2_dst, W, eps):
  n_nodes, f = X.shape
  n_he = 5000
  e = g1_src.shape[0]
  i32 = jnp.int32

  eb = 128
  bt1 = -(-(e // 2) // (NS * eb))
  bt0 = -(-(e - NS * bt1 * eb) // (NS * eb))
  btmax = max(bt0, bt1)
  c0e = e - NS * bt1 * eb

  def prep(idx, pad_val):
    idx = idx.astype(i32)
    p0 = jnp.concatenate(
        [idx[:c0e], jnp.full((NS * bt0 * eb - c0e,), pad_val, i32)])
    p0 = p0.reshape(NS, bt0, eb)
    p0 = jnp.pad(p0, ((0, 0), (0, btmax - bt0), (0, 0)),
                 constant_values=pad_val)
    pad1 = NS * bt1 * eb - (e - c0e)
    p1 = jnp.concatenate([idx[c0e:], jnp.full((pad1,), pad_val, i32)])
    p1 = p1.reshape(NS, bt1, eb)
    p1 = jnp.pad(p1, ((0, 0), (0, btmax - bt1), (0, 0)),
                 constant_values=pad_val)
    return jnp.concatenate([p0, p1], axis=0)

  s1 = prep(g1_src, n_nodes)
  d1 = prep(g1_dst, 0)
  s2 = prep(g2_src, n_he)
  d2 = prep(g2_dst, 0)

  node_tab_rows = n_nodes + 16
  he_rows = 5120
  node_acc_rows = 10240
  Xt = jnp.zeros((node_tab_rows, f), jnp.float32).at[:n_nodes].set(X)
  zeros = jnp.zeros((node_acc_rows // NS, f), jnp.float32)

  scat1 = _make_scatter_stage(he_rows, bt0, bt1, eb)
  scat2 = _make_scatter_stage(node_acc_rows, bt0, bt1, eb)

  e_parts = scat1(Xt, s1, d1, zeros)

  combine = pl.pallas_call(
      _combine_body,
      out_shape=jax.ShapeDtypeStruct((he_rows, f), jnp.float32),
  )
  Xe = combine(e_parts)

  v_parts = scat2(Xe, s2, d2, zeros)

  rb = 2000
  final = pl.pallas_call(
      _final_body,
      grid=(n_nodes // rb,),
      in_specs=[
          pl.BlockSpec((rb, f), lambda i: (i, 0)),
          pl.BlockSpec((NC, rb, f), lambda i: (0, i, 0)),
          pl.BlockSpec((f, f), lambda i: (0, 0)),
          pl.BlockSpec(memory_space=pltpu.SMEM),
      ],
      out_specs=pl.BlockSpec((rb, f), lambda i: (i, 0)),
      out_shape=jax.ShapeDtypeStruct((n_nodes, f), jnp.float32),
  )
  return final(X, v_parts, W, eps.reshape(1, 1))

# --- scband reference (transcript-rebuilt; emitter-appended) ---
"""Pipeline reference for scband-dglhyper-ginconv-27831388078170 (READ-ONLY COPY).

The authoritative reference and input builder live on the scoring server;
editing this copy changes nothing except your own understanding.
"""

import jax, jax.numpy as jnp
import numpy as np

N_NODES = 10000
N_HYPEREDGES = 5000
N_EDGES = 320000
IN_CH = 128
HEADS = 8
OUT_CH = 16
HID = HEADS * OUT_CH  # 128


def setup_inputs(seed: int = 0) -> dict:
    key = jax.random.key(seed)
    k1, k2, k3, k4, k5, k6 = jax.random.split(key, 6)
    X = jax.random.normal(k1, (N_NODES, IN_CH), dtype=jnp.float32)
    g1_src = jax.random.randint(k2, (N_EDGES,), 0, N_NODES, dtype=jnp.int64)
    g1_dst = jax.random.randint(k3, (N_EDGES,), 0, N_HYPEREDGES, dtype=jnp.int64)
    g2_src = jax.random.randint(k4, (N_EDGES,), 0, N_HYPEREDGES, dtype=jnp.int64)
    g2_dst = jax.random.randint(k5, (N_EDGES,), 0, N_NODES, dtype=jnp.int64)
    # Linear W: in_channels -> heads*out_channels, no bias (stored as [in, out] for x @ W)
    W = jax.random.normal(k6, (IN_CH, HID), dtype=jnp.float32) * (1.0 / np.sqrt(IN_CH))
    eps = jnp.zeros((1,), dtype=jnp.float32)
    return {"X": X, "g1_src": g1_src, "g1_dst": g1_dst, "g2_src": g2_src, "g2_dst": g2_dst, "W": W, "eps": eps}


def reference(X, g1_src, g1_dst, g2_src, g2_dst, W, eps):
    # X = self.W(X)
    Xp = X @ W  # [N_NODES, HID]
    # Xe = dgl.ops.copy_u_sum(g1, X): gather src-node feats, scatter-add to hyperedges
    Xe = jax.ops.segment_sum(jnp.take(Xp, g1_src, axis=0), g1_dst, num_segments=N_HYPEREDGES)
    # Xv = dgl.ops.copy_u_sum(g2, Xe): gather hyperedge feats, scatter-add to nodes
    Xv = jax.ops.segment_sum(jnp.take(Xe, g2_src, axis=0), g2_dst, num_segments=N_NODES)
    # X = (1 + eps) * X + Xv
    out = (1.0 + eps) * Xp + Xv
    return out

if __name__ == "__main__":
    import jax
    _d = setup_inputs()
    print(jax.jit(kernel)(*tuple(_d.values())))

</pallas_src>

<mosaic_0001>
#map = affine_map<(d0, d1) -> (0, 0)>
#map1 = affine_map<(d0, d1) -> (0, 0, 0)>
module attributes {stable_mosaic.version = 14 : i64} {
  func.func @scat(%arg0: i32, %arg1: i32, %arg2: memref<10016x128xf32, #tpu.memory_space<hbm>>, %arg3: memref<32x79x128xi32, #tpu.memory_space<hbm>>, %arg4: memref<32x79x128xi32, #tpu.memory_space<hbm>>, %arg5: memref<640x128xf32, #tpu.memory_space<hbm>>, %arg6: memref<2x5120x128xf32, #tpu.memory_space<hbm>>, %arg7: memref<79x128xi32, #tpu.memory_space<vmem>>, %arg8: memref<79x128xi32, #tpu.memory_space<vmem>>, %arg9: memref<128x128xf32, #tpu.memory_space<vmem>>, %arg10: memref<5120x128xf32, #tpu.memory_space<vmem_shared>>, %arg11: memref<!tpu.dma_semaphore, #tpu.memory_space<semaphore_mem>>) attributes {dimension_semantics = [#tpu.dimension_semantics<core_parallel>, #tpu.dimension_semantics<subcore_parallel>], iteration_bounds = array<i64: 2, 16>, scalar_prefetch = 0 : i64, scratch_operands = 5 : i64, tpu.core_type = #tpu.core_type<sc_vector_subcore>, window_params = [{transform_indices = #map}, {transform_indices = #map1}, {transform_indices = #map1}, {transform_indices = #map}, {transform_indices = #map1}]} {
    %mul3A = arith.constant 16 : i32
    %mul3A_0 = arith.muli %arg0, %mul3A : i32
    %add3A = arith.addi %mul3A_0, %arg1 : i32
    %mul3A_1 = arith.constant 320 : i32
    %mul3A_2 = arith.muli %arg1, %mul3A_1 : i32
    "tpu.region"() ({
      %run_scoped3A = tpu.sem_alloc : memref<!tpu.dma_semaphore, #tpu.memory_space<semaphore_mem>>
      %dma_start3A = arith.constant 0 : i32
      %dma_start3A_19 = tpu.memref_slice %arg10[%mul3A_2, %dma_start3A] : memref<5120x128xf32, #tpu.memory_space<vmem_shared>> -> memref<320x128xf32, #tpu.memory_space<vmem_shared>>
      %dma_start3A_20 = arith.constant 0 : i32
      %dma_start3A_21 = arith.constant 0 : i32
      %dma_start3A_22 = tpu.memref_slice %arg5[%dma_start3A_20, %dma_start3A_21] : memref<640x128xf32, #tpu.memory_space<hbm>> -> memref<320x128xf32, #tpu.memory_space<hbm>>
      tpu.enqueue_dma source(%dma_start3A_22 : memref<320x128xf32, #tpu.memory_space<hbm>>) target(%dma_start3A_19 : memref<320x128xf32, #tpu.memory_space<vmem_shared>>) target_semaphore(%run_scoped3A : memref<!tpu.dma_semaphore, #tpu.memory_space<semaphore_mem>>)
      %dma_wait3A = arith.constant 0 : i32
      %dma_wait3A_23 = tpu.memref_slice %arg10[%mul3A_2, %dma_wait3A] : memref<5120x128xf32, #tpu.memory_space<vmem_shared>> -> memref<320x128xf32, #tpu.memory_space<vmem_shared>>
      %dma_wait3A_24 = arith.constant 0 : i32
      %dma_wait3A_25 = arith.constant 0 : i32
      %dma_wait3A_26 = tpu.memref_slice %arg5[%dma_wait3A_24, %dma_wait3A_25] : memref<640x128xf32, #tpu.memory_space<hbm>> -> memref<320x128xf32, #tpu.memory_space<hbm>>
      tpu.wait_dma2 semaphore(%run_scoped3A : memref<!tpu.dma_semaphore, #tpu.memory_space<semaphore_mem>>) src(%dma_wait3A_26 : memref<320x128xf32, #tpu.memory_space<hbm>>) dst(%dma_wait3A_23 : memref<320x128xf32, #tpu.memory_space<vmem_shared>>)
      tpu.yield
    }) : () -> ()
    "tpu.region"() ({
      %run_scoped3A = tpu.sem_alloc : memref<!tpu.dma_semaphore, #tpu.memory_space<semaphore_mem>>
      %dma_start3A = arith.constant 0 : i32
      %dma_start3A_19 = arith.constant 0 : i32
      %dma_start3A_20 = tpu.memref_slice %arg3[%add3A, %dma_start3A, %dma_start3A_19] : memref<32x79x128xi32, #tpu.memory_space<hbm>> -> memref<1x79x128xi32, #tpu.memory_space<hbm>>
      %dma_start3A_21 = tpu.memref_squeeze %dma_start3A_20 : memref<1x79x128xi32, #tpu.memory_space<hbm>> -> memref<79x128xi32, #tpu.memory_space<hbm>>
      %dma_start3A_22 = arith.constant 0 : i32
      %dma_start3A_23 = arith.constant 0 : i32
      %dma_start3A_24 = tpu.memref_slice %arg3[%add3A, %dma_start3A_22, %dma_start3A_23] : memref<32x79x128xi32, #tpu.memory_space<hbm>> -> memref<1x79x128xi32, #tpu.memory_space<hbm>>
      %dma_start3A_25 = tpu.memref_squeeze %dma_start3A_24 : memref<1x79x128xi32, #tpu.memory_space<hbm>> -> memref<79x128xi32, #tpu.memory_space<hbm>>
      tpu.enqueue_dma source(%dma_start3A_25 : memref<79x128xi32, #tpu.memory_space<hbm>>) target(%arg7 : memref<79x128xi32, #tpu.memory_space<vmem>>) target_semaphore(%run_scoped3A : memref<!tpu.dma_semaphore, #tpu.memory_space<semaphore_mem>>)
      %dma_wait3A = arith.constant 0 : i32
      %dma_wait3A_26 = arith.constant 0 : i32
      %dma_wait3A_27 = tpu.memref_slice %arg3[%add3A, %dma_wait3A, %dma_wait3A_26] : memref<32x79x128xi32, #tpu.memory_space<hbm>> -> memref<1x79x128xi32, #tpu.memory_space<hbm>>
      %dma_wait3A_28 = tpu.memref_squeeze %dma_wait3A_27 : memref<1x79x128xi32, #tpu.memory_space<hbm>> -> memref<79x128xi32, #tpu.memory_space<hbm>>
      %dma_wait3A_29 = arith.constant 0 : i32
      %dma_wait3A_30 = arith.constant 0 : i32
      %dma_wait3A_31 = tpu.memref_slice %arg3[%add3A, %dma_wait3A_29, %dma_wait3A_30] : memref<32x79x128xi32, #tpu.memory_space<hbm>> -> memref<1x79x128xi32, #tpu.memory_space<hbm>>
      %dma_wait3A_32 = tpu.memref_squeeze %dma_wait3A_31 : memref<1x79x128xi32, #tpu.memory_space<hbm>> -> memref<79x128xi32, #tpu.memory_space<hbm>>
      tpu.wait_dma2 semaphore(%run_scoped3A : memref<!tpu.dma_semaphore, #tpu.memory_space<semaphore_mem>>) src(%dma_wait3A_32 : memref<79x128xi32, #tpu.memory_space<hbm>>) dst(%arg7 : memref<79x128xi32, #tpu.memory_space<vmem>>)
      tpu.yield
    }) : () -> ()
    "tpu.region"() ({
      %run_scoped3A = tpu.sem_alloc : memref<!tpu.dma_semaphore, #tpu.memory_space<semaphore_mem>>
      %dma_start3A = arith.constant 0 : i32
      %dma_start3A_19 = arith.constant 0 : i32
      %dma_start3A_20 = tpu.memref_slice %arg4[%add3A, %dma_start3A, %dma_start3A_19] : memref<32x79x128xi32, #tpu.memory_space<hbm>> -> memref<1x79x128xi32, #tpu.memory_space<hbm>>
      %dma_start3A_21 = tpu.memref_squeeze %dma_start3A_20 : memref<1x79x128xi32, #tpu.memory_space<hbm>> -> memref<79x128xi32, #tpu.memory_space<hbm>>
      %dma_start3A_22 = arith.constant 0 : i32
      %dma_start3A_23 = arith.constant 0 : i32
      %dma_start3A_24 = tpu.memref_slice %arg4[%add3A, %dma_start3A_22, %dma_start3A_23] : memref<32x79x128xi32, #tpu.memory_space<hbm>> -> memref<1x79x128xi32, #tpu.memory_space<hbm>>
      %dma_start3A_25 = tpu.memref_squeeze %dma_start3A_24 : memref<1x79x128xi32, #tpu.memory_space<hbm>> -> memref<79x128xi32, #tpu.memory_space<hbm>>
      tpu.enqueue_dma source(%dma_start3A_25 : memref<79x128xi32, #tpu.memory_space<hbm>>) target(%arg8 : memref<79x128xi32, #tpu.memory_space<vmem>>) target_semaphore(%run_scoped3A : memref<!tpu.dma_semaphore, #tpu.memory_space<semaphore_mem>>)
      %dma_wait3A = arith.constant 0 : i32
      %dma_wait3A_26 = arith.constant 0 : i32
      %dma_wait3A_27 = tpu.memref_slice %arg4[%add3A, %dma_wait3A, %dma_wait3A_26] : memref<32x79x128xi32, #tpu.memory_space<hbm>> -> memref<1x79x128xi32, #tpu.memory_space<hbm>>
      %dma_wait3A_28 = tpu.memref_squeeze %dma_wait3A_27 : memref<1x79x128xi32, #tpu.memory_space<hbm>> -> memref<79x128xi32, #tpu.memory_space<hbm>>
      %dma_wait3A_29 = arith.constant 0 : i32
      %dma_wait3A_30 = arith.constant 0 : i32
      %dma_wait3A_31 = tpu.memref_slice %arg4[%add3A, %dma_wait3A_29, %dma_wait3A_30] : memref<32x79x128xi32, #tpu.memory_space<hbm>> -> memref<1x79x128xi32, #tpu.memory_space<hbm>>
      %dma_wait3A_32 = tpu.memref_squeeze %dma_wait3A_31 : memref<1x79x128xi32, #tpu.memory_space<hbm>> -> memref<79x128xi32, #tpu.memory_space<hbm>>
      tpu.wait_dma2 semaphore(%run_scoped3A : memref<!tpu.dma_semaphore, #tpu.memory_space<semaphore_mem>>) src(%dma_wait3A_32 : memref<79x128xi32, #tpu.memory_space<hbm>>) dst(%arg8 : memref<79x128xi32, #tpu.memory_space<vmem>>)
      tpu.yield
    }) : () -> ()
    %barrier3A = arith.constant 0 : index
    tpu.barrier barrier_id(%barrier3A)
    %eq3A = arith.constant 0 : i32
    %eq3A_3 = arith.cmpi eq, %arg0, %eq3A : i32
    %jit3A = arith.constant 78 : i32
    %jit3A_4 = arith.constant 79 : i32
    %select_n3A = arith.select %eq3A_3, %jit3A, %jit3A_4 : i32
    %while3A = arith.constant 0 : i32
    %while3A_5 = arith.constant 0 : i32
    %while3A_6 = arith.subi %select_n3A, %while3A_5 : i32
    %while3A_7 = arith.addi %while3A_5, %while3A_6 : i32
    %while3A_8 = arith.constant 1 : i32
    %while3A_9 = arith.divsi %while3A_6, %while3A_8 : i32
    %while3A_10 = arith.muli %while3A_9, %while3A_8 : i32
    %while3A_11 = arith.addi %while3A_5, %while3A_10 : i32
    %while3A_12 = arith.constant 1 : i32
    scf.for %while3A_19 = %while3A_5 to %while3A_11 step %while3A_12  : i32 {
      %dma_start3A = arith.constant 0 : i32
      %dma_start3A_20 = tpu.memref_slice %arg7[%while3A_19, %dma_start3A] : memref<79x128xi32, #tpu.memory_space<vmem>> -> memref<1x128xi32, #tpu.memory_space<vmem>>
      %dma_start3A_21 = tpu.memref_squeeze %dma_start3A_20 : memref<1x128xi32, #tpu.memory_space<vmem>> -> memref<128xi32, #tpu.memory_space<vmem>>
      %dma_start3A_22 = arith.constant 0 : i32
      %dma_start3A_23 = arith.constant 0 : i32
      %dma_start3A_24 = tpu.memref_slice %arg2[%dma_start3A_22, %dma_start3A_23] : memref<10016x128xf32, #tpu.memory_space<hbm>> -> memref<10016x128xf32, #tpu.memory_space<hbm>>
      tpu.enqueue_indirect_dma source(%dma_start3A_24 : memref<10016x128xf32, #tpu.memory_space<hbm>>) target(%arg9 : memref<128x128xf32, #tpu.memory_space<vmem>>) offsets(%dma_start3A_21 : memref<128xi32, #tpu.memory_space<vmem>>) semaphore(%arg11 : memref<!tpu.dma_semaphore, #tpu.memory_space<semaphore_mem>>)
      %dma_wait3A = arith.constant 0 : i32
      %dma_wait3A_25 = tpu.memref_slice %arg7[%while3A_19, %dma_wait3A] : memref<79x128xi32, #tpu.memory_space<vmem>> -> memref<1x128xi32, #tpu.memory_space<vmem>>
      %dma_wait3A_26 = tpu.memref_squeeze %dma_wait3A_25 : memref<1x128xi32, #tpu.memory_space<vmem>> -> memref<128xi32, #tpu.memory_space<vmem>>
      %dma_wait3A_27 = arith.constant 0 : i32
      %dma_wait3A_28 = arith.constant 0 : i32
      %dma_wait3A_29 = tpu.memref_slice %arg2[%dma_wait3A_27, %dma_wait3A_28] : memref<10016x128xf32, #tpu.memory_space<hbm>> -> memref<10016x128xf32, #tpu.memory_space<hbm>>
      tpu.wait_indirect_dma semaphore(%arg11 : memref<!tpu.dma_semaphore, #tpu.memory_space<semaphore_mem>>) src(%dma_wait3A_29 : memref<10016x128xf32, #tpu.memory_space<hbm>>) dst(%arg9 : memref<128x128xf32, #tpu.memory_space<vmem>>)
      "tpu.region"() ({
        %run_scoped3A = tpu.sem_alloc : memref<!tpu.dma_semaphore, #tpu.memory_space<semaphore_mem>>
        %dma_start3A_30 = arith.constant 0 : i32
        %dma_start3A_31 = tpu.memref_slice %arg8[%while3A_19, %dma_start3A_30] : memref<79x128xi32, #tpu.memory_space<vmem>> -> memref<1x128xi32, #tpu.memory_space<vmem>>
        %dma_start3A_32 = tpu.memref_squeeze %dma_start3A_31 : memref<1x128xi32, #tpu.memory_space<vmem>> -> memref<128xi32, #tpu.memory_space<vmem>>
        %dma_start3A_33 = arith.constant 0 : i32
        %dma_start3A_34 = arith.constant 0 : i32
        %dma_start3A_35 = tpu.memref_slice %arg10[%dma_start3A_33, %dma_start3A_34] : memref<5120x128xf32, #tpu.memory_space<vmem_shared>> -> memref<5120x128xf32, #tpu.memory_space<vmem_shared>>
        tpu.enqueue_indirect_dma source(%arg9 : memref<128x128xf32, #tpu.memory_space<vmem>>) target(%dma_start3A_35 : memref<5120x128xf32, #tpu.memory_space<vmem_shared>>) offsets(%dma_start3A_32 : memref<128xi32, #tpu.memory_space<vmem>>) semaphore(%run_scoped3A : memref<!tpu.dma_semaphore, #tpu.memory_space<semaphore_mem>>) {add = true}
        %dma_wait3A_36 = arith.constant 0 : i32
        %dma_wait3A_37 = tpu.memref_slice %arg8[%while3A_19, %dma_wait3A_36] : memref<79x128xi32, #tpu.memory_space<vmem>> -> memref<1x128xi32, #tpu.memory_space<vmem>>
        %dma_wait3A_38 = tpu.memref_squeeze %dma_wait3A_37 : memref<1x128xi32, #tpu.memory_space<vmem>> -> memref<128xi32, #tpu.memory_space<vmem>>
        %dma_wait3A_39 = arith.constant 0 : i32
        %dma_wait3A_40 = arith.constant 0 : i32
        %dma_wait3A_41 = tpu.memref_slice %arg10[%dma_wait3A_39, %dma_wait3A_40] : memref<5120x128xf32, #tpu.memory_space<vmem_shared>> -> memref<5120x128xf32, #tpu.memory_space<vmem_shared>>
        tpu.wait_indirect_dma semaphore(%run_scoped3A : memref<!tpu.dma_semaphore, #tpu.memory_space<semaphore_mem>>) src(%arg9 : memref<128x128xf32, #tpu.memory_space<vmem>>) dst(%dma_wait3A_41 : memref<5120x128xf32, #tpu.memory_space<vmem_shared>>)
        tpu.yield
      }) : () -> ()
    }
    %while3A_13 = arith.constant 1 : i32
    scf.for %while3A_19 = %while3A_11 to %while3A_7 step %while3A_13  : i32 {
      %dma_start3A = arith.constant 0 : i32
      %dma_start3A_20 = tpu.memref_slice %arg7[%while3A_19, %dma_start3A] : memref<79x128xi32, #tpu.memory_space<vmem>> -> memref<1x128xi32, #tpu.memory_space<vmem>>
      %dma_start3A_21 = tpu.memref_squeeze %dma_start3A_20 : memref<1x128xi32, #tpu.memory_space<vmem>> -> memref<128xi32, #tpu.memory_space<vmem>>
      %dma_start3A_22 = arith.constant 0 : i32
      %dma_start3A_23 = arith.constant 0 : i32
      %dma_start3A_24 = tpu.memref_slice %arg2[%dma_start3A_22, %dma_start3A_23] : memref<10016x128xf32, #tpu.memory_space<hbm>> -> memref<10016x128xf32, #tpu.memory_space<hbm>>
      tpu.enqueue_indirect_dma source(%dma_start3A_24 : memref<10016x128xf32, #tpu.memory_space<hbm>>) target(%arg9 : memref<128x128xf32, #tpu.memory_space<vmem>>) offsets(%dma_start3A_21 : memref<128xi32, #tpu.memory_space<vmem>>) semaphore(%arg11 : memref<!tpu.dma_semaphore, #tpu.memory_space<semaphore_mem>>)
      %dma_wait3A = arith.constant 0 : i32
      %dma_wait3A_25 = tpu.memref_slice %arg7[%while3A_19, %dma_wait3A] : memref<79x128xi32, #tpu.memory_space<vmem>> -> memref<1x128xi32, #tpu.memory_space<vmem>>
      %dma_wait3A_26 = tpu.memref_squeeze %dma_wait3A_25 : memref<1x128xi32, #tpu.memory_space<vmem>> -> memref<128xi32, #tpu.memory_space<vmem>>
      %dma_wait3A_27 = arith.constant 0 : i32
      %dma_wait3A_28 = arith.constant 0 : i32
      %dma_wait3A_29 = tpu.memref_slice %arg2[%dma_wait3A_27, %dma_wait3A_28] : memref<10016x128xf32, #tpu.memory_space<hbm>> -> memref<10016x128xf32, #tpu.memory_space<hbm>>
      tpu.wait_indirect_dma semaphore(%arg11 : memref<!tpu.dma_semaphore, #tpu.memory_space<semaphore_mem>>) src(%dma_wait3A_29 : memref<10016x128xf32, #tpu.memory_space<hbm>>) dst(%arg9 : memref<128x128xf32, #tpu.memory_space<vmem>>)
      "tpu.region"() ({
        %run_scoped3A = tpu.sem_alloc : memref<!tpu.dma_semaphore, #tpu.memory_space<semaphore_mem>>
        %dma_start3A_30 = arith.constant 0 : i32
        %dma_start3A_31 = tpu.memref_slice %arg8[%while3A_19, %dma_start3A_30] : memref<79x128xi32, #tpu.memory_space<vmem>> -> memref<1x128xi32, #tpu.memory_space<vmem>>
        %dma_start3A_32 = tpu.memref_squeeze %dma_start3A_31 : memref<1x128xi32, #tpu.memory_space<vmem>> -> memref<128xi32, #tpu.memory_space<vmem>>
        %dma_start3A_33 = arith.constant 0 : i32
        %dma_start3A_34 = arith.constant 0 : i32
        %dma_start3A_35 = tpu.memref_slice %arg10[%dma_start3A_33, %dma_start3A_34] : memref<5120x128xf32, #tpu.memory_space<vmem_shared>> -> memref<5120x128xf32, #tpu.memory_space<vmem_shared>>
        tpu.enqueue_indirect_dma source(%arg9 : memref<128x128xf32, #tpu.memory_space<vmem>>) target(%dma_start3A_35 : memref<5120x128xf32, #tpu.memory_space<vmem_shared>>) offsets(%dma_start3A_32 : memref<128xi32, #tpu.memory_space<vmem>>) semaphore(%run_scoped3A : memref<!tpu.dma_semaphore, #tpu.memory_space<semaphore_mem>>) {add = true}
        %dma_wait3A_36 = arith.constant 0 : i32
        %dma_wait3A_37 = tpu.memref_slice %arg8[%while3A_19, %dma_wait3A_36] : memref<79x128xi32, #tpu.memory_space<vmem>> -> memref<1x128xi32, #tpu.memory_space<vmem>>
        %dma_wait3A_38 = tpu.memref_squeeze %dma_wait3A_37 : memref<1x128xi32, #tpu.memory_space<vmem>> -> memref<128xi32, #tpu.memory_space<vmem>>
        %dma_wait3A_39 = arith.constant 0 : i32
        %dma_wait3A_40 = arith.constant 0 : i32
        %dma_wait3A_41 = tpu.memref_slice %arg10[%dma_wait3A_39, %dma_wait3A_40] : memref<5120x128xf32, #tpu.memory_space<vmem_shared>> -> memref<5120x128xf32, #tpu.memory_space<vmem_shared>>
        tpu.wait_indirect_dma semaphore(%run_scoped3A : memref<!tpu.dma_semaphore, #tpu.memory_space<semaphore_mem>>) src(%arg9 : memref<128x128xf32, #tpu.memory_space<vmem>>) dst(%dma_wait3A_41 : memref<5120x128xf32, #tpu.memory_space<vmem_shared>>)
        tpu.yield
      }) : () -> ()
    }
    %barrier3A_14 = arith.constant 0 : index
    tpu.barrier barrier_id(%barrier3A_14)
    %mul3A_15 = arith.constant 320 : i32
    %mul3A_16 = arith.muli %arg1, %mul3A_15 : i32
    %mul3A_17 = arith.constant 320 : i32
    %mul3A_18 = arith.muli %arg1, %mul3A_17 : i32
    "tpu.region"() ({
      %run_scoped3A = tpu.sem_alloc : memref<!tpu.dma_semaphore, #tpu.memory_space<semaphore_mem>>
      %dma_start3A = arith.constant 0 : i32
      %dma_start3A_19 = tpu.memref_slice %arg6[%arg0, %mul3A_18, %dma_start3A] : memref<2x5120x128xf32, #tpu.memory_space<hbm>> -> memref<1x320x128xf32, #tpu.memory_space<hbm>>
      %dma_start3A_20 = tpu.memref_squeeze %dma_start3A_19 : memref<1x320x128xf32, #tpu.memory_space<hbm>> -> memref<320x128xf32, #tpu.memory_space<hbm>>
      %dma_start3A_21 = arith.constant 0 : i32
      %dma_start3A_22 = tpu.memref_slice %arg10[%mul3A_16, %dma_start3A_21] : memref<5120x128xf32, #tpu.memory_space<vmem_shared>> -> memref<320x128xf32, #tpu.memory_space<vmem_shared>>
      tpu.enqueue_dma source(%dma_start3A_22 : memref<320x128xf32, #tpu.memory_space<vmem_shared>>) target(%dma_start3A_20 : memref<320x128xf32, #tpu.memory_space<hbm>>) target_semaphore(%run_scoped3A : memref<!tpu.dma_semaphore, #tpu.memory_space<semaphore_mem>>)
      %dma_wait3A = arith.constant 0 : i32
      %dma_wait3A_23 = tpu.memref_slice %arg6[%arg0, %mul3A_18, %dma_wait3A] : memref<2x5120x128xf32, #tpu.memory_space<hbm>> -> memref<1x320x128xf32, #tpu.memory_space<hbm>>
      %dma_wait3A_24 = tpu.memref_squeeze %dma_wait3A_23 : memref<1x320x128xf32, #tpu.memory_space<hbm>> -> memref<320x128xf32, #tpu.memory_space<hbm>>
      %dma_wait3A_25 = arith.constant 0 : i32
      %dma_wait3A_26 = tpu.memref_slice %arg10[%mul3A_16, %dma_wait3A_25] : memref<5120x128xf32, #tpu.memory_space<vmem_shared>> -> memref<320x128xf32, #tpu.memory_space<vmem_shared>>
      tpu.wait_dma2 semaphore(%run_scoped3A : memref<!tpu.dma_semaphore, #tpu.memory_space<semaphore_mem>>) src(%dma_wait3A_26 : memref<320x128xf32, #tpu.memory_space<vmem_shared>>) dst(%dma_wait3A_24 : memref<320x128xf32, #tpu.memory_space<hbm>>)
      tpu.yield
    }) : () -> ()
    return
  }
}

#map = affine_map<(d0, d1) -> (0, 0)>
#map1 = affine_map<(d0, d1) -> (0, 0, 0)>
module attributes {stable_mosaic.version = 14 : i64} {
  func.func @scat(%arg0: i32, %arg1: i32, %arg2: memref<5120x128xf32, #tpu.memory_space<hbm>>, %arg3: memref<32x79x128xi32, #tpu.memory_space<hbm>>, %arg4: memref<32x79x128xi32, #tpu.memory_space<hbm>>, %arg5: memref<640x128xf32, #tpu.memory_space<hbm>>, %arg6: memref<2x10240x128xf32, #tpu.memory_space<hbm>>, %arg7: memref<79x128xi32, #tpu.memory_space<vmem>>, %arg8: memref<79x128xi32, #tpu.memory_space<vmem>>, %arg9: memref<128x128xf32, #tpu.memory_space<vmem>>, %arg10: memref<10240x128xf32, #tpu.memory_space<vmem_shared>>, %arg11: memref<!tpu.dma_semaphore, #tpu.memory_space<semaphore_mem>>) attributes {dimension_semantics = [#tpu.dimension_semantics<core_parallel>, #tpu.dimension_semantics<subcore_parallel>], iteration_bounds = array<i64: 2, 16>, scalar_prefetch = 0 : i64, scratch_operands = 5 : i64, tpu.core_type = #tpu.core_type<sc_vector_subcore>, window_params = [{transform_indices = #map}, {transform_indices = #map1}, {transform_indices = #map1}, {transform_indices = #map}, {transform_indices = #map1}]} {
    %mul3A = arith.constant 16 : i32
    %mul3A_0 = arith.muli %arg0, %mul3A : i32
    %add3A = arith.addi %mul3A_0, %arg1 : i32
    %mul3A_1 = arith.constant 640 : i32
    %mul3A_2 = arith.muli %arg1, %mul3A_1 : i32
    "tpu.region"() ({
      %run_scoped3A = tpu.sem_alloc : memref<!tpu.dma_semaphore, #tpu.memory_space<semaphore_mem>>
      %dma_start3A = arith.constant 0 : i32
      %dma_start3A_19 = tpu.memref_slice %arg10[%mul3A_2, %dma_start3A] : memref<10240x128xf32, #tpu.memory_space<vmem_shared>> -> memref<640x128xf32, #tpu.memory_space<vmem_shared>>
      %dma_start3A_20 = arith.constant 0 : i32
      %dma_start3A_21 = arith.constant 0 : i32
      %dma_start3A_22 = tpu.memref_slice %arg5[%dma_start3A_20, %dma_start3A_21] : memref<640x128xf32, #tpu.memory_space<hbm>> -> memref<640x128xf32, #tpu.memory_space<hbm>>
      tpu.enqueue_dma source(%dma_start3A_22 : memref<640x128xf32, #tpu.memory_space<hbm>>) target(%dma_start3A_19 : memref<640x128xf32, #tpu.memory_space<vmem_shared>>) target_semaphore(%run_scoped3A : memref<!tpu.dma_semaphore, #tpu.memory_space<semaphore_mem>>)
      %dma_wait3A = arith.constant 0 : i32
      %dma_wait3A_23 = tpu.memref_slice %arg10[%mul3A_2, %dma_wait3A] : memref<10240x128xf32, #tpu.memory_space<vmem_shared>> -> memref<640x128xf32, #tpu.memory_space<vmem_shared>>
      %dma_wait3A_24 = arith.constant 0 : i32
      %dma_wait3A_25 = arith.constant 0 : i32
      %dma_wait3A_26 = tpu.memref_slice %arg5[%dma_wait3A_24, %dma_wait3A_25] : memref<640x128xf32, #tpu.memory_space<hbm>> -> memref<640x128xf32, #tpu.memory_space<hbm>>
      tpu.wait_dma2 semaphore(%run_scoped3A : memref<!tpu.dma_semaphore, #tpu.memory_space<semaphore_mem>>) src(%dma_wait3A_26 : memref<640x128xf32, #tpu.memory_space<hbm>>) dst(%dma_wait3A_23 : memref<640x128xf32, #tpu.memory_space<vmem_shared>>)
      tpu.yield
    }) : () -> ()
    "tpu.region"() ({
      %run_scoped3A = tpu.sem_alloc : memref<!tpu.dma_semaphore, #tpu.memory_space<semaphore_mem>>
      %dma_start3A = arith.constant 0 : i32
      %dma_start3A_19 = arith.constant 0 : i32
      %dma_start3A_20 = tpu.memref_slice %arg3[%add3A, %dma_start3A, %dma_start3A_19] : memref<32x79x128xi32, #tpu.memory_space<hbm>> -> memref<1x79x128xi32, #tpu.memory_space<hbm>>
      %dma_start3A_21 = tpu.memref_squeeze %dma_start3A_20 : memref<1x79x128xi32, #tpu.memory_space<hbm>> -> memref<79x128xi32, #tpu.memory_space<hbm>>
      %dma_start3A_22 = arith.constant 0 : i32
      %dma_start3A_23 = arith.constant 0 : i32
      %dma_start3A_24 = tpu.memref_slice %arg3[%add3A, %dma_start3A_22, %dma_start3A_23] : memref<32x79x128xi32, #tpu.memory_space<hbm>> -> memref<1x79x128xi32, #tpu.memory_space<hbm>>
      %dma_start3A_25 = tpu.memref_squeeze %dma_start3A_24 : memref<1x79x128xi32, #tpu.memory_space<hbm>> -> memref<79x128xi32, #tpu.memory_space<hbm>>
      tpu.enqueue_dma source(%dma_start3A_25 : memref<79x128xi32, #tpu.memory_space<hbm>>) target(%arg7 : memref<79x128xi32, #tpu.memory_space<vmem>>) target_semaphore(%run_scoped3A : memref<!tpu.dma_semaphore, #tpu.memory_space<semaphore_mem>>)
      %dma_wait3A = arith.constant 0 : i32
      %dma_wait3A_26 = arith.constant 0 : i32
      %dma_wait3A_27 = tpu.memref_slice %arg3[%add3A, %dma_wait3A, %dma_wait3A_26] : memref<32x79x128xi32, #tpu.memory_space<hbm>> -> memref<1x79x128xi32, #tpu.memory_space<hbm>>
      %dma_wait3A_28 = tpu.memref_squeeze %dma_wait3A_27 : memref<1x79x128xi32, #tpu.memory_space<hbm>> -> memref<79x128xi32, #tpu.memory_space<hbm>>
      %dma_wait3A_29 = arith.constant 0 : i32
      %dma_wait3A_30 = arith.constant 0 : i32
      %dma_wait3A_31 = tpu.memref_slice %arg3[%add3A, %dma_wait3A_29, %dma_wait3A_30] : memref<32x79x128xi32, #tpu.memory_space<hbm>> -> memref<1x79x128xi32, #tpu.memory_space<hbm>>
      %dma_wait3A_32 = tpu.memref_squeeze %dma_wait3A_31 : memref<1x79x128xi32, #tpu.memory_space<hbm>> -> memref<79x128xi32, #tpu.memory_space<hbm>>
      tpu.wait_dma2 semaphore(%run_scoped3A : memref<!tpu.dma_semaphore, #tpu.memory_space<semaphore_mem>>) src(%dma_wait3A_32 : memref<79x128xi32, #tpu.memory_space<hbm>>) dst(%arg7 : memref<79x128xi32, #tpu.memory_space<vmem>>)
      tpu.yield
    }) : () -> ()
    "tpu.region"() ({
      %run_scoped3A = tpu.sem_alloc : memref<!tpu.dma_semaphore, #tpu.memory_space<semaphore_mem>>
      %dma_start3A = arith.constant 0 : i32
      %dma_start3A_19 = arith.constant 0 : i32
      %dma_start3A_20 = tpu.memref_slice %arg4[%add3A, %dma_start3A, %dma_start3A_19] : memref<32x79x128xi32, #tpu.memory_space<hbm>> -> memref<1x79x128xi32, #tpu.memory_space<hbm>>
      %dma_start3A_21 = tpu.memref_squeeze %dma_start3A_20 : memref<1x79x128xi32, #tpu.memory_space<hbm>> -> memref<79x128xi32, #tpu.memory_space<hbm>>
      %dma_start3A_22 = arith.constant 0 : i32
      %dma_start3A_23 = arith.constant 0 : i32
      %dma_start3A_24 = tpu.memref_slice %arg4[%add3A, %dma_start3A_22, %dma_start3A_23] : memref<32x79x128xi32, #tpu.memory_space<hbm>> -> memref<1x79x128xi32, #tpu.memory_space<hbm>>
      %dma_start3A_25 = tpu.memref_squeeze %dma_start3A_24 : memref<1x79x128xi32, #tpu.memory_space<hbm>> -> memref<79x128xi32, #tpu.memory_space<hbm>>
      tpu.enqueue_dma source(%dma_start3A_25 : memref<79x128xi32, #tpu.memory_space<hbm>>) target(%arg8 : memref<79x128xi32, #tpu.memory_space<vmem>>) target_semaphore(%run_scoped3A : memref<!tpu.dma_semaphore, #tpu.memory_space<semaphore_mem>>)
      %dma_wait3A = arith.constant 0 : i32
      %dma_wait3A_26 = arith.constant 0 : i32
      %dma_wait3A_27 = tpu.memref_slice %arg4[%add3A, %dma_wait3A, %dma_wait3A_26] : memref<32x79x128xi32, #tpu.memory_space<hbm>> -> memref<1x79x128xi32, #tpu.memory_space<hbm>>
      %dma_wait3A_28 = tpu.memref_squeeze %dma_wait3A_27 : memref<1x79x128xi32, #tpu.memory_space<hbm>> -> memref<79x128xi32, #tpu.memory_space<hbm>>
      %dma_wait3A_29 = arith.constant 0 : i32
      %dma_wait3A_30 = arith.constant 0 : i32
      %dma_wait3A_31 = tpu.memref_slice %arg4[%add3A, %dma_wait3A_29, %dma_wait3A_30] : memref<32x79x128xi32, #tpu.memory_space<hbm>> -> memref<1x79x128xi32, #tpu.memory_space<hbm>>
      %dma_wait3A_32 = tpu.memref_squeeze %dma_wait3A_31 : memref<1x79x128xi32, #tpu.memory_space<hbm>> -> memref<79x128xi32, #tpu.memory_space<hbm>>
      tpu.wait_dma2 semaphore(%run_scoped3A : memref<!tpu.dma_semaphore, #tpu.memory_space<semaphore_mem>>) src(%dma_wait3A_32 : memref<79x128xi32, #tpu.memory_space<hbm>>) dst(%arg8 : memref<79x128xi32, #tpu.memory_space<vmem>>)
      tpu.yield
    }) : () -> ()
    %barrier3A = arith.constant 0 : index
    tpu.barrier barrier_id(%barrier3A)
    %eq3A = arith.constant 0 : i32
    %eq3A_3 = arith.cmpi eq, %arg0, %eq3A : i32
    %jit3A = arith.constant 78 : i32
    %jit3A_4 = arith.constant 79 : i32
    %select_n3A = arith.select %eq3A_3, %jit3A, %jit3A_4 : i32
    %while3A = arith.constant 0 : i32
    %while3A_5 = arith.constant 0 : i32
    %while3A_6 = arith.subi %select_n3A, %while3A_5 : i32
    %while3A_7 = arith.addi %while3A_5, %while3A_6 : i32
    %while3A_8 = arith.constant 1 : i32
    %while3A_9 = arith.divsi %while3A_6, %while3A_8 : i32
    %while3A_10 = arith.muli %while3A_9, %while3A_8 : i32
    %while3A_11 = arith.addi %while3A_5, %while3A_10 : i32
    %while3A_12 = arith.constant 1 : i32
    scf.for %while3A_19 = %while3A_5 to %while3A_11 step %while3A_12  : i32 {
      %dma_start3A = arith.constant 0 : i32
      %dma_start3A_20 = tpu.memref_slice %arg7[%while3A_19, %dma_start3A] : memref<79x128xi32, #tpu.memory_space<vmem>> -> memref<1x128xi32, #tpu.memory_space<vmem>>
      %dma_start3A_21 = tpu.memref_squeeze %dma_start3A_20 : memref<1x128xi32, #tpu.memory_space<vmem>> -> memref<128xi32, #tpu.memory_space<vmem>>
      %dma_start3A_22 = arith.constant 0 : i32
      %dma_start3A_23 = arith.constant 0 : i32
      %dma_start3A_24 = tpu.memref_slice %arg2[%dma_start3A_22, %dma_start3A_23] : memref<5120x128xf32, #tpu.memory_space<hbm>> -> memref<5120x128xf32, #tpu.memory_space<hbm>>
      tpu.enqueue_indirect_dma source(%dma_start3A_24 : memref<5120x128xf32, #tpu.memory_space<hbm>>) target(%arg9 : memref<128x128xf32, #tpu.memory_space<vmem>>) offsets(%dma_start3A_21 : memref<128xi32, #tpu.memory_space<vmem>>) semaphore(%arg11 : memref<!tpu.dma_semaphore, #tpu.memory_space<semaphore_mem>>)
      %dma_wait3A = arith.constant 0 : i32
      %dma_wait3A_25 = tpu.memref_slice %arg7[%while3A_19, %dma_wait3A] : memref<79x128xi32, #tpu.memory_space<vmem>> -> memref<1x128xi32, #tpu.memory_space<vmem>>
      %dma_wait3A_26 = tpu.memref_squeeze %dma_wait3A_25 : memref<1x128xi32, #tpu.memory_space<vmem>> -> memref<128xi32, #tpu.memory_space<vmem>>
      %dma_wait3A_27 = arith.constant 0 : i32
      %dma_wait3A_28 = arith.constant 0 : i32
      %dma_wait3A_29 = tpu.memref_slice %arg2[%dma_wait3A_27, %dma_wait3A_28] : memref<5120x128xf32, #tpu.memory_space<hbm>> -> memref<5120x128xf32, #tpu.memory_space<hbm>>
      tpu.wait_indirect_dma semaphore(%arg11 : memref<!tpu.dma_semaphore, #tpu.memory_space<semaphore_mem>>) src(%dma_wait3A_29 : memref<5120x128xf32, #tpu.memory_space<hbm>>) dst(%arg9 : memref<128x128xf32, #tpu.memory_space<vmem>>)
      "tpu.region"() ({
        %run_scoped3A = tpu.sem_alloc : memref<!tpu.dma_semaphore, #tpu.memory_space<semaphore_mem>>
        %dma_start3A_30 = arith.constant 0 : i32
        %dma_start3A_31 = tpu.memref_slice %arg8[%while3A_19, %dma_start3A_30] : memref<79x128xi32, #tpu.memory_space<vmem>> -> memref<1x128xi32, #tpu.memory_space<vmem>>
        %dma_start3A_32 = tpu.memref_squeeze %dma_start3A_31 : memref<1x128xi32, #tpu.memory_space<vmem>> -> memref<128xi32, #tpu.memory_space<vmem>>
        %dma_start3A_33 = arith.constant 0 : i32
        %dma_start3A_34 = arith.constant 0 : i32
        %dma_start3A_35 = tpu.memref_slice %arg10[%dma_start3A_33, %dma_start3A_34] : memref<10240x128xf32, #tpu.memory_space<vmem_shared>> -> memref<10240x128xf32, #tpu.memory_space<vmem_shared>>
        tpu.enqueue_indirect_dma source(%arg9 : memref<128x128xf32, #tpu.memory_space<vmem>>) target(%dma_start3A_35 : memref<10240x128xf32, #tpu.memory_space<vmem_shared>>) offsets(%dma_start3A_32 : memref<128xi32, #tpu.memory_space<vmem>>) semaphore(%run_scoped3A : memref<!tpu.dma_semaphore, #tpu.memory_space<semaphore_mem>>) {add = true}
        %dma_wait3A_36 = arith.constant 0 : i32
        %dma_wait3A_37 = tpu.memref_slice %arg8[%while3A_19, %dma_wait3A_36] : memref<79x128xi32, #tpu.memory_space<vmem>> -> memref<1x128xi32, #tpu.memory_space<vmem>>
        %dma_wait3A_38 = tpu.memref_squeeze %dma_wait3A_37 : memref<1x128xi32, #tpu.memory_space<vmem>> -> memref<128xi32, #tpu.memory_space<vmem>>
        %dma_wait3A_39 = arith.constant 0 : i32
        %dma_wait3A_40 = arith.constant 0 : i32
        %dma_wait3A_41 = tpu.memref_slice %arg10[%dma_wait3A_39, %dma_wait3A_40] : memref<10240x128xf32, #tpu.memory_space<vmem_shared>> -> memref<10240x128xf32, #tpu.memory_space<vmem_shared>>
        tpu.wait_indirect_dma semaphore(%run_scoped3A : memref<!tpu.dma_semaphore, #tpu.memory_space<semaphore_mem>>) src(%arg9 : memref<128x128xf32, #tpu.memory_space<vmem>>) dst(%dma_wait3A_41 : memref<10240x128xf32, #tpu.memory_space<vmem_shared>>)
        tpu.yield
      }) : () -> ()
    }
    %while3A_13 = arith.constant 1 : i32
    scf.for %while3A_19 = %while3A_11 to %while3A_7 step %while3A_13  : i32 {
      %dma_start3A = arith.constant 0 : i32
      %dma_start3A_20 = tpu.memref_slice %arg7[%while3A_19, %dma_start3A] : memref<79x128xi32, #tpu.memory_space<vmem>> -> memref<1x128xi32, #tpu.memory_space<vmem>>
      %dma_start3A_21 = tpu.memref_squeeze %dma_start3A_20 : memref<1x128xi32, #tpu.memory_space<vmem>> -> memref<128xi32, #tpu.memory_space<vmem>>
      %dma_start3A_22 = arith.constant 0 : i32
      %dma_start3A_23 = arith.constant 0 : i32
      %dma_start3A_24 = tpu.memref_slice %arg2[%dma_start3A_22, %dma_start3A_23] : memref<5120x128xf32, #tpu.memory_space<hbm>> -> memref<5120x128xf32, #tpu.memory_space<hbm>>
      tpu.enqueue_indirect_dma source(%dma_start3A_24 : memref<5120x128xf32, #tpu.memory_space<hbm>>) target(%arg9 : memref<128x128xf32, #tpu.memory_space<vmem>>) offsets(%dma_start3A_21 : memref<128xi32, #tpu.memory_space<vmem>>) semaphore(%arg11 : memref<!tpu.dma_semaphore, #tpu.memory_space<semaphore_mem>>)
      %dma_wait3A = arith.constant 0 : i32
      %dma_wait3A_25 = tpu.memref_slice %arg7[%while3A_19, %dma_wait3A] : memref<79x128xi32, #tpu.memory_space<vmem>> -> memref<1x128xi32, #tpu.memory_space<vmem>>
      %dma_wait3A_26 = tpu.memref_squeeze %dma_wait3A_25 : memref<1x128xi32, #tpu.memory_space<vmem>> -> memref<128xi32, #tpu.memory_space<vmem>>
      %dma_wait3A_27 = arith.constant 0 : i32
      %dma_wait3A_28 = arith.constant 0 : i32
      %dma_wait3A_29 = tpu.memref_slice %arg2[%dma_wait3A_27, %dma_wait3A_28] : memref<5120x128xf32, #tpu.memory_space<hbm>> -> memref<5120x128xf32, #tpu.memory_space<hbm>>
      tpu.wait_indirect_dma semaphore(%arg11 : memref<!tpu.dma_semaphore, #tpu.memory_space<semaphore_mem>>) src(%dma_wait3A_29 : memref<5120x128xf32, #tpu.memory_space<hbm>>) dst(%arg9 : memref<128x128xf32, #tpu.memory_space<vmem>>)
      "tpu.region"() ({
        %run_scoped3A = tpu.sem_alloc : memref<!tpu.dma_semaphore, #tpu.memory_space<semaphore_mem>>
        %dma_start3A_30 = arith.constant 0 : i32
        %dma_start3A_31 = tpu.memref_slice %arg8[%while3A_19, %dma_start3A_30] : memref<79x128xi32, #tpu.memory_space<vmem>> -> memref<1x128xi32, #tpu.memory_space<vmem>>
        %dma_start3A_32 = tpu.memref_squeeze %dma_start3A_31 : memref<1x128xi32, #tpu.memory_space<vmem>> -> memref<128xi32, #tpu.memory_space<vmem>>
        %dma_start3A_33 = arith.constant 0 : i32
        %dma_start3A_34 = arith.constant 0 : i32
        %dma_start3A_35 = tpu.memref_slice %arg10[%dma_start3A_33, %dma_start3A_34] : memref<10240x128xf32, #tpu.memory_space<vmem_shared>> -> memref<10240x128xf32, #tpu.memory_space<vmem_shared>>
        tpu.enqueue_indirect_dma source(%arg9 : memref<128x128xf32, #tpu.memory_space<vmem>>) target(%dma_start3A_35 : memref<10240x128xf32, #tpu.memory_space<vmem_shared>>) offsets(%dma_start3A_32 : memref<128xi32, #tpu.memory_space<vmem>>) semaphore(%run_scoped3A : memref<!tpu.dma_semaphore, #tpu.memory_space<semaphore_mem>>) {add = true}
        %dma_wait3A_36 = arith.constant 0 : i32
        %dma_wait3A_37 = tpu.memref_slice %arg8[%while3A_19, %dma_wait3A_36] : memref<79x128xi32, #tpu.memory_space<vmem>> -> memref<1x128xi32, #tpu.memory_space<vmem>>
        %dma_wait3A_38 = tpu.memref_squeeze %dma_wait3A_37 : memref<1x128xi32, #tpu.memory_space<vmem>> -> memref<128xi32, #tpu.memory_space<vmem>>
        %dma_wait3A_39 = arith.constant 0 : i32
        %dma_wait3A_40 = arith.constant 0 : i32
        %dma_wait3A_41 = tpu.memref_slice %arg10[%dma_wait3A_39, %dma_wait3A_40] : memref<10240x128xf32, #tpu.memory_space<vmem_shared>> -> memref<10240x128xf32, #tpu.memory_space<vmem_shared>>
        tpu.wait_indirect_dma semaphore(%run_scoped3A : memref<!tpu.dma_semaphore, #tpu.memory_space<semaphore_mem>>) src(%arg9 : memref<128x128xf32, #tpu.memory_space<vmem>>) dst(%dma_wait3A_41 : memref<10240x128xf32, #tpu.memory_space<vmem_shared>>)
        tpu.yield
      }) : () -> ()
    }
    %barrier3A_14 = arith.constant 0 : index
    tpu.barrier barrier_id(%barrier3A_14)
    %mul3A_15 = arith.constant 640 : i32
    %mul3A_16 = arith.muli %arg1, %mul3A_15 : i32
    %mul3A_17 = arith.constant 640 : i32
    %mul3A_18 = arith.muli %arg1, %mul3A_17 : i32
    "tpu.region"() ({
      %run_scoped3A = tpu.sem_alloc : memref<!tpu.dma_semaphore, #tpu.memory_space<semaphore_mem>>
      %dma_start3A = arith.constant 0 : i32
      %dma_start3A_19 = tpu.memref_slice %arg6[%arg0, %mul3A_18, %dma_start3A] : memref<2x10240x128xf32, #tpu.memory_space<hbm>> -> memref<1x640x128xf32, #tpu.memory_space<hbm>>
      %dma_start3A_20 = tpu.memref_squeeze %dma_start3A_19 : memref<1x640x128xf32, #tpu.memory_space<hbm>> -> memref<640x128xf32, #tpu.memory_space<hbm>>
      %dma_start3A_21 = arith.constant 0 : i32
      %dma_start3A_22 = tpu.memref_slice %arg10[%mul3A_16, %dma_start3A_21] : memref<10240x128xf32, #tpu.memory_space<vmem_shared>> -> memref<640x128xf32, #tpu.memory_space<vmem_shared>>
      tpu.enqueue_dma source(%dma_start3A_22 : memref<640x128xf32, #tpu.memory_space<vmem_shared>>) target(%dma_start3A_20 : memref<640x128xf32, #tpu.memory_space<hbm>>) target_semaphore(%run_scoped3A : memref<!tpu.dma_semaphore, #tpu.memory_space<semaphore_mem>>)
      %dma_wait3A = arith.constant 0 : i32
      %dma_wait3A_23 = tpu.memref_slice %arg6[%arg0, %mul3A_18, %dma_wait3A] : memref<2x10240x128xf32, #tpu.memory_space<hbm>> -> memref<1x640x128xf32, #tpu.memory_space<hbm>>
      %dma_wait3A_24 = tpu.memref_squeeze %dma_wait3A_23 : memref<1x640x128xf32, #tpu.memory_space<hbm>> -> memref<640x128xf32, #tpu.memory_space<hbm>>
      %dma_wait3A_25 = arith.constant 0 : i32
      %dma_wait3A_26 = tpu.memref_slice %arg10[%mul3A_16, %dma_wait3A_25] : memref<10240x128xf32, #tpu.memory_space<vmem_shared>> -> memref<640x128xf32, #tpu.memory_space<vmem_shared>>
      tpu.wait_dma2 semaphore(%run_scoped3A : memref<!tpu.dma_semaphore, #tpu.memory_space<semaphore_mem>>) src(%dma_wait3A_26 : memref<640x128xf32, #tpu.memory_space<vmem_shared>>) dst(%dma_wait3A_24 : memref<640x128xf32, #tpu.memory_space<hbm>>)
      tpu.yield
    }) : () -> ()
    return
  }
}

module attributes {stable_mosaic.version = 14 : i64} {
  func.func @_combine_body(%arg0: memref<2x5120x128xf32, #tpu.memory_space<vmem>>, %arg1: memref<5120x128xf32, #tpu.memory_space<vmem>>) attributes {dimension_semantics = [], scalar_prefetch = 0 : i64, scratch_operands = 0 : i64, tpu.core_type = #tpu.core_type<tc>} {
    %get3A = arith.constant 0 : index
    %get3A_0 = arith.constant 0 : index
    %get3A_1 = arith.constant 0 : index
    %get3A_2 = vector.load %arg0[%get3A, %get3A_0, %get3A_1] : memref<2x5120x128xf32, #tpu.memory_space<vmem>>, vector<1x5120x128xf32>
    %get3A_3 = vector.shape_cast %get3A_2 : vector<1x5120x128xf32> to vector<5120x128xf32>
    %get3A_4 = arith.constant 1 : index
    %get3A_5 = arith.constant 0 : index
    %get3A_6 = arith.constant 0 : index
    %get3A_7 = vector.load %arg0[%get3A_4, %get3A_5, %get3A_6] : memref<2x5120x128xf32, #tpu.memory_space<vmem>>, vector<1x5120x128xf32>
    %get3A_8 = vector.shape_cast %get3A_7 : vector<1x5120x128xf32> to vector<5120x128xf32>
    %add3A = arith.addf %get3A_3, %get3A_8 : vector<5120x128xf32>
    %swap3A = arith.constant 0 : index
    %swap3A_9 = arith.constant 0 : index
    %swap3A_10 = vector.load %arg1[%swap3A, %swap3A_9] : memref<5120x128xf32, #tpu.memory_space<vmem>>, vector<5120x128xf32>
    tpu.vector_store %arg1[%swap3A, %swap3A_9], %add3A {strides = array<i32>} : memref<5120x128xf32, #tpu.memory_space<vmem>>, vector<5120x128xf32>,
    return
  }
}

module attributes {stable_mosaic.version = 14 : i64} {
  func.func @_final_body(%arg0: i32, %arg1: memref<2000x128xf32, #tpu.memory_space<vmem>>, %arg2: memref<2x2000x128xf32, #tpu.memory_space<vmem>>, %arg3: memref<128x128xf32, #tpu.memory_space<vmem>>, %arg4: memref<1x1xf32, #tpu.memory_space<smem>>, %arg5: memref<2000x128xf32, #tpu.memory_space<vmem>>) attributes {dimension_semantics = [#tpu.dimension_semantics<arbitrary>], iteration_bounds = array<i64: 5>, scalar_prefetch = 0 : i64, scratch_operands = 0 : i64, tpu.core_type = #tpu.core_type<tc>, window_params = [{transform_indices = @transform_0, window_bounds = array<i64: 2000, 128>}, {transform_indices = @transform_1, window_bounds = array<i64: 2, 2000, 128>}, {pipeline_mode = #tpu.pipeline_mode<synchronous>, transform_indices = @transform_2, window_bounds = array<i64: 128, 128>}, {transform_indices = @transform_3, window_bounds = array<i64: 1, 1>}, {transform_indices = @transform_4, window_bounds = array<i64: 2000, 128>}]} {
    %get3A = arith.constant 0 : index
    %get3A_0 = arith.constant 0 : index
    %get3A_1 = memref.load %arg4[%get3A, %get3A_0] : memref<1x1xf32, #tpu.memory_space<smem>>
    %add3A = arith.constant 1.000000e+00 : f32
    %add3A_2 = arith.addf %add3A, %get3A_1 : f32
    %get3A_3 = arith.constant 0 : index
    %get3A_4 = arith.constant 0 : index
    %get3A_5 = vector.load %arg1[%get3A_3, %get3A_4] : memref<2000x128xf32, #tpu.memory_space<vmem>>, vector<2000x128xf32>
    %mul3A = vector.broadcast %add3A_2 : f32 to vector<2000x128xf32>
    %mul3A_6 = arith.mulf %mul3A, %get3A_5 : vector<2000x128xf32>
    %get3A_7 = arith.constant 0 : index
    %get3A_8 = arith.constant 0 : index
    %get3A_9 = arith.constant 0 : index
    %get3A_10 = vector.load %arg2[%get3A_7, %get3A_8, %get3A_9] : memref<2x2000x128xf32, #tpu.memory_space<vmem>>, vector<1x2000x128xf32>
    %get3A_11 = vector.shape_cast %get3A_10 : vector<1x2000x128xf32> to vector<2000x128xf32>
    %add3A_12 = arith.addf %mul3A_6, %get3A_11 : vector<2000x128xf32>
    %get3A_13 = arith.constant 1 : index
    %get3A_14 = arith.constant 0 : index
    %get3A_15 = arith.constant 0 : index
    %get3A_16 = vector.load %arg2[%get3A_13, %get3A_14, %get3A_15] : memref<2x2000x128xf32, #tpu.memory_space<vmem>>, vector<1x2000x128xf32>
    %get3A_17 = vector.shape_cast %get3A_16 : vector<1x2000x128xf32> to vector<2000x128xf32>
    %add3A_18 = arith.addf %add3A_12, %get3A_17 : vector<2000x128xf32>
    %get3A_19 = arith.constant 0 : index
    %get3A_20 = arith.constant 0 : index
    %get3A_21 = vector.load %arg3[%get3A_19, %get3A_20] : memref<128x128xf32, #tpu.memory_space<vmem>>, vector<128x128xf32>
    %dot_general3A = arith.constant dense<0.000000e+00> : vector<2000x128xf32>
    %dot_general3A_22 = tpu.matmul %add3A_18, %get3A_21, %dot_general3A {dimension_numbers = #tpu.dot_dimension_numbers<[1], [0], [0], [1], [0, 0, 1, 1], [], []>, transpose_lhs_hint = false} : vector<2000x128xf32>, vector<128x128xf32>, vector<2000x128xf32> -> vector<2000x128xf32>
    %swap3A = arith.constant 0 : index
    %swap3A_23 = arith.constant 0 : index
    %swap3A_24 = vector.load %arg5[%swap3A, %swap3A_23] : memref<2000x128xf32, #tpu.memory_space<vmem>>, vector<2000x128xf32>
    tpu.vector_store %arg5[%swap3A, %swap3A_23], %dot_general3A_22 {strides = array<i32>} : memref<2000x128xf32, #tpu.memory_space<vmem>>, vector<2000x128xf32>,
    return
  }
  func.func @transform_0(%arg0: i32) -> (i32, i32) {
    %c0_i32 = arith.constant 0 : i32
    %c0_i32_0 = arith.constant 0 : i32
    return %arg0, %c0_i32 : i32, i32
  }
  func.func @transform_1(%arg0: i32) -> (i32, i32, i32) {
    %c0_i32 = arith.constant 0 : i32
    %c0_i32_0 = arith.constant 0 : i32
    %c0_i32_1 = arith.constant 0 : i32
    return %c0_i32, %arg0, %c0_i32_0 : i32, i32, i32
  }
  func.func @transform_2(%arg0: i32) -> (i32, i32) {
    %c0_i32 = arith.constant 0 : i32
    %c0_i32_0 = arith.constant 0 : i32
    %c0_i32_1 = arith.constant 0 : i32
    return %c0_i32, %c0_i32_0 : i32, i32
  }
  func.func @transform_3(%arg0: i32) -> (i32, i32) {
    %c0_i32 = arith.constant 0 : i32
    %c0_i32_0 = arith.constant 0 : i32
    %c0_i32_1 = arith.constant 0 : i32
    return %c0_i32, %c0_i32_0 : i32, i32
  }
  func.func @transform_4(%arg0: i32) -> (i32, i32) {
    %c0_i32 = arith.constant 0 : i32
    %c0_i32_0 = arith.constant 0 : i32
    return %arg0, %c0_i32 : i32, i32
  }
}

</mosaic_0001>

<sc_bundles>
// kernel: kernel.6.cloned.1.call-start
scs
__scs_entry_jumppad:
0x0: {  	(pc) =	sbr.rel $0x88, $3  }
0x1: {  	(tag) =	ssettag $0x0;
	lr =	simm.s32 $0x1  }
0x2: {  	[smem:$0x3F9A] =	sst lr;
	_ =	strace $0xD0000000  }
0x3: {  	_ = 	snop  }
0x4: {  	_ = 	snop  }
0x5: {  	_ = 	snop  }
0x6: {  	_ = 	snop  }
0x7: {  	_ = 	snop  }
__scs_overlays_trampoline_lowered:
0x8: {  	[smem:$0x3FA9] =	sst s0  }
0x9: {  	[smem:$0x3FAA] =	sst s1  }
0xa: {  	[smem:$0x3FAB] =	sst s2  }
0xb: {  	[smem:$0x3FAC] =	sst s3  }
0xc: {  	[smem:$0x3FAD] =	sst s4  }
0xd: {  	[smem:$0x3FAE] =	sst s5  }
0xe: {  	[smem:$0x3FAF] =	sst s6  }
0xf: {  	[smem:$0x3FB0] =	sst s7  }
0x10: {  	[smem:$0x3FB1] =	sst s8  }
0x11: {  	[smem:$0x3FB2] =	sst s9;
	s0 =	simm.s32 @!p0 $0x0  }
0x12: {  	s1 =	sld [smem:$0x3F98];
	s0 =	simm.s32 @p0 $0x1  }
0x13: {  	[smem:$0x3FB3] =	sst s0;
	s0 =	simm.s32 @!p1 $0x0  }
0x14: {  	s2 =	sld [smem:$0x3F97];
	s0 =	simm.s32 @p1 $0x1  }
0x15: {  	[smem:$0x3FB4] =	sst s0;
	s0 =	simm.s32 @!p2 $0x0  }
0x16: {  	s3 =	sld [smem:$0x3FDB];
	s0 =	simm.s32 @p2 $0x1  }
0x17: {  	s4 =	simm.s32 $0x1BF5;
	[smem:$0x3FB6] =	sst s0  }
0x18: {  	s0 =	sld [smem:$0x3F99];
	_ =	swait.ge [sflag:s4], $0x0  }
0x19: {  	s7 =	sld [smem:$0x3F9A]  }
0x1a: {  	s8 =	sadd.s32 $0xFFFFE003, lr  }
0x1b: {  	s9 =	sadd.s32 $0xFFFFFEF7, lr;
	s5 =	simm.s32 $0xFFFFFFFF;
	p2 =	slt.u32 s8, $0xFFFFF086  }
0x1c: {  	p1 =	slt.u32 s9, $0xF7A;
	s5 =	simm.s32 @!p2 $0x0  }
0x1d: {  	s5 =	simm.s32 @p1 $0x1;
	p0 =	seq.s32 s7, s2  }
0x1e: {  	s7 =	smul.u32 @!p0 $0xF7A, s2;
	p2 =	seq.s32 @!p0 s5, $0x0  }
0x1f: {  	s9 =	smul.u32 $0xF7A, s1;
	s8 =	simm.s32 @!p0 $0x1BF5;
	p2 =	por !p2, p0  }
0x20: {  	[sflag:s8] =	ssyncset.s32 @!p0 $0xFFFFF086;
	s6 =	sadd.s32 @!p0 s3, s7;
	s7 =	simm.s32 @!p0 $0x108  }
0x21: {  	s3 =	sadd.s32 s3, s9;
	s6 =	sadd.s32 @!p0 $0x88, s6;
	s7 =	simm.s32 @p2 $0x1082  }
0x22: {  	[simem:s7], [sflag:s8] =	dma.local @!p0 [hbm:s6], $0xF7A  }
0x23: {  	s9 =	sor.u32 $0xD0000000, s2;
	s6 =	simm.s32 $0x108;
	_ =	swait.ge @!p0 [sflag:s8], $0x0  }
0x24: {  	s3 =	sadd.s32 $0x88, s3;
	s6 =	simm.s32 @!p1 $0x1082;
	[sflag:s4] =	ssyncset.s32 $0xFFFFF086  }
0x25: {  	[simem:s6], [sflag:s4] =	dma.local [hbm:s3], $0xF7A  }
0x26: {  	[smem:$0x3F9A] =	sst s1;
	(tag) =	ssettag s2;
	_ =	strace s9  }
0x27: {  	s1 =	sld [smem:$0x3FAA]  }
0x28: {  	s2 =	sld [smem:$0x3FAB]  }
0x29: {  	s4 =	sld [smem:$0x3FAD]  }
0x2a: {  	p0 =	seq.s32 s5, $0x0;
	s5 =	sld [smem:$0x3FAE]  }
0x2b: {  	s6 =	sld [smem:$0x3FAF]  }
0x2c: {  	s7 =	sld [smem:$0x3FB0]  }
0x2d: {  	s3 =	simm.s32 $0x108;
	s8 =	sld [smem:$0x3FB1]  }
0x2e: {  	s3 =	simm.s32 @!p0 $0x1082;
	s9 =	sld [smem:$0x3FB2]  }
0x2f: {  	lr =	sadd.s32 s0, s3;
	s0 =	sld [smem:$0x3FA9]  }
0x30: {  	s3 =	sld [smem:$0x3FAC]  }
0x31: {  	[smem:$0x3FB5] =	sst s10  }
0x32: {  	s10 =	sld [smem:$0x3FB3];
	_ =	sdelay $0x3  }
0x33: {  	p0 =	seq.s32 s10, $0x1;
	s10 =	sld [smem:$0x3FB5];
	_ =	sdelay $0x3  }
0x34: {  	[smem:$0x3FB5] =	sst s10  }
0x35: {  	s10 =	sld [smem:$0x3FB4];
	_ =	sdelay $0x3  }
0x36: {  	p1 =	seq.s32 s10, $0x1;
	s10 =	sld [smem:$0x3FB5];
	_ =	sdelay $0x3  }
0x37: {  	[smem:$0x3FB5] =	sst s10  }
0x38: {  	s10 =	sld [smem:$0x3FB6]  }
0x39: {  	_ = 	snop;
	(pc) =	sbr.ind lr, $3  }
0x3a: {  	_ = 	snop  }
0x3b: {  	_ = 	snop  }
0x3c: {  	p2 =	seq.s32 s10, $0x1;
	s10 =	sld [smem:$0x3FB5]  }
0x3d: {  	_ =	shalt  }
0x3e: {  	_ =	shalt  }
0x3f: {  	_ =	shalt  }
0x40: {  	_ =	shalt  }
0x41: {  	_ =	shalt  }
0x42: {  	_ =	shalt  }
0x43: {  	_ =	shalt  }
0x44: {  	_ =	shalt  }
0x45: {  	_ =	shalt  }
0x46: {  	_ =	shalt  }
0x47: {  	_ =	shalt  }
0x48: {  	_ =	shalt  }
0x49: {  	_ =	shalt  }
0x4a: {  	_ =	shalt  }
0x4b: {  	_ =	shalt  }
0x4c: {  	_ =	shalt  }
0x4d: {  	_ =	shalt  }
0x4e: {  	_ =	shalt  }
0x4f: {  	_ =	shalt  }
0x50: {  	_ =	shalt  }
0x51: {  	_ =	shalt  }
0x52: {  	_ =	shalt  }
0x53: {  	_ =	shalt  }
0x54: {  	_ =	shalt  }
0x55: {  	_ =	shalt  }
0x56: {  	_ =	shalt  }
0x57: {  	_ =	shalt  }
0x58: {  	_ =	shalt  }
0x59: {  	_ =	shalt  }
0x5a: {  	_ =	shalt  }
0x5b: {  	_ =	shalt  }
0x5c: {  	_ =	shalt  }
0x5d: {  	_ =	shalt  }
0x5e: {  	_ =	shalt  }
0x5f: {  	_ =	shalt  }
0x60: {  	_ =	shalt  }
0x61: {  	_ =	shalt  }
0x62: {  	_ =	shalt  }
0x63: {  	_ =	shalt  }
0x64: {  	_ =	shalt  }
0x65: {  	_ =	shalt  }
0x66: {  	_ =	shalt  }
0x67: {  	_ =	shalt  }
0x68: {  	_ =	shalt  }
0x69: {  	_ =	shalt  }
0x6a: {  	_ =	shalt  }
0x6b: {  	_ =	shalt  }
0x6c: {  	_ =	shalt  }
0x6d: {  	_ =	shalt  }
0x6e: {  	_ =	shalt  }
0x6f: {  	_ =	shalt  }
0x70: {  	_ =	shalt  }
0x71: {  	_ =	shalt  }
0x72: {  	_ =	shalt  }
0x73: {  	_ =	shalt  }
0x74: {  	_ =	shalt  }
0x75: {  	_ =	shalt  }
0x76: {  	_ =	shalt  }
0x77: {  	_ =	shalt  }
0x78: {  	_ =	shalt  }
0x79: {  	_ =	shalt  }
0x7a: {  	_ =	shalt  }
0x7b: {  	_ =	shalt  }
0x7c: {  	_ =	shalt  }
0x7d: {  	_ =	shalt  }
0x7e: {  	_ =	shalt  }
0x7f: {  	_ =	shalt  }
0x80: {  	_ =	shalt  }
0x81: {  	_ =	shalt  }
0x82: {  	_ =	shalt  }
0x83: {  	_ =	shalt  }
0x84: {  	_ =	shalt  }
0x85: {  	_ =	shalt  }
0x86: {  	_ =	shalt  }
0x87: {  	_ =	shalt  }
.Lfunc_end0:
.L_simem_size_0:
called_computation_lowered:
.L_overlay_start_0:
0x88: {  	s2 =	sld [smem:$0x3FD9]  }
0x89: {  	s3 =	sld [smem:$0x3FFE];
	_ =	sdelay $0x1  }
0x8a: {  	s1 =	srdreg.scid  }
0x8b: {  	s0 =	sand.u32 $0x1, s1  }
0x8c: {  	s17 =	sshll.u32 s0, $0xA;
	s2 =	sadd.s32 s3, s2  }
0x8d: {  	s2 =	sadd.s32 s2, s17  }
0x8e: {  	[smem:$0x3FC1] =	sst s2  }
0x8f: {  	_ = 	snop  }
0x90: {  	s2 =	sld [smem:$0x3FD0];
	(tm) =	ssettm $0x1  }
0x91: {  	s18 =	sld [smem:$0x3FFB];
	_ =	sdelay $0x3  }
0x92: {  	_ =	strace s18  }
0x93: {  	s3 =	sld [smem:$0x3FFC];
	_ =	sdelay $0x3  }
0x94: {  	_ =	strace s3  }
0x95: {  	s3 =	sld [smem:$0x3FFD];
	_ =	sdelay $0x3  }
0x96: {  	_ =	strace s3  }
0x97: {  	_ =	strace $0x8FFFFFFF  }
0x98: {  	s19 =	sld [smem:$0x3FDB];
	_ =	sdelay $0x1  }
0x99: {  	s4 =	simm.s32 $_scs_section_size  }
0x9a: {  	s5 =	simm.s32 $_size__tile_overlayer_lowered;
	s6 =	simm.s32 $_tile_overlayer_lowered  }
0x9b: {  	s22 =	simm.s32 $0x1BFF;
	s21 =	sshll.u32 s6, $0x1;
	s3 =	sadd.s32 s4, s19  }
0x9c: {  	s7 =	simm.s32 $0x0;
	s20 =	sshll.u32 s5, $0x1;
	s5 =	sadd.s32 s21, s3  }
0x9d: {  	[timem:s7], [sflag:s22] =	dma.local [hbm:s5], s20  }
0x9e: {  	_ =	swait.ge [sflag:s22], s20  }
0x9f: {  	s4 =	ssub.s32 $0x0, s20;
	[sflag:s22] =	ssyncset.done $0x0  }
0xa0: {  	[sflag:s22] =	ssyncadd.s32 s4;
	_ =	sdelay $0x1  }
0xa1: {  	s23 =	simm.s32 $0x1B8B  }
0xa2: {  	_ =	swait.ge [sflag:s23], $0x1  }
0xa3: {  	[sflag:s23] =	ssyncset.done $0x0  }
0xa4: {  	s25 =	simm.s32 $0x1B8E;
	s24 =	sld [smem:$0x3FFE];
	[sflag:s23] =	ssyncadd.s32 $0xFFFFFFFF  }
0xa5: {  	s26 =	simm.s32 $execute0_lowered;
	[smem:$0x3FD2] =	sst s25  }
0xa6: {  	s5 =	sshll.u32 s26, $0x1;
	_ =	strace $0x80000046;
	[dreg:$0x1] =	wrdreg $0xFFFFFFFF  }
0xa7: {  	s28 =	simm.s32 $_size_execute0_lowered;
	s3 =	sadd.s32 s3, s5;
	[dreg:$0x0] =	wrdreg $0x0  }
0xa8: {  	s5 =	sshll.u32 s28, $0x1;
	[dreg:$0x2] =	wrdreg s3  }
0xa9: {  	[dreg:$0x3] =	wrdreg s5  }
0xaa: {  	[dreg:$0x4] =	wrdreg $0xC0  }
0xab: {  	_ =	task [dreg:s7], $0x5FFFF  }
0xac: {  	[dreg:$0x1] =	wrdreg $0xFFFFFFFF  }
0xad: {  	[dreg:$0x0] =	wrdreg $0x60  }
0xae: {  	[dreg:$0x2] =	wrdreg s24  }
0xaf: {  	[dreg:$0x3] =	wrdreg s2  }
0xb0: {  	[dreg:$0x4] =	wrdreg $0x90000  }
0xb1: {  	[dreg:$0x5] =	wrdreg $0x9  }
0xb2: {  	_ =	task.clear_ibuf [dreg:s7], $0x6FFFF;
	_ =	strace $0x90000046  }
0xb3: {  	s29 =	simm.s32 $0x9;
	_ =	strace $0x80000048  }
0xb4: {  	_ =	swait.ge [sflag:s29], $0x1  }
0xb5: {  	[sflag:s29] =	ssyncadd.s32 $0xFFFFFFFF  }
0xb6: {  	_ =	strace $0x90000048  }
0xb7: {  	_ =	sfence  }
0xb8: {  	s30 =	sld [smem:$0x0];
	_ =	sdelay $0x2  }
0xb9: {  	s31 =	sshll.u32 s1, $0xD;
	s1 =	sshrl.u32 s1, $0x2  }
0xba: {  	s3 =	sand.u32 $0x4000, s31;
	s1 =	sadd.s32 s1, s30  }
0xbb: {  	s0 =	sor.u32 s3, s0;
	s1 =	sshll.u32 s1, $0x11  }
0xbc: {  	s0 =	sor.u32 s1, s0  }
0xbd: {  	s0 =	sadd.s32 $0x8F2B, s0  }
0xbe: {  	[sflag:s0] =	ssyncadd.remote.s32 $0x1  }
0xbf: {  	_ =	sfence.sel $0xFFFF  }
0xc0: {  	[dreg:$0x0] =	wrdreg $0xFFFFFFFF;
	(pc) =	sbr.abs _section_cstart, $3  }
0xc1: {  	[dreg:$0x1] =	wrdreg $0xFFFFFFFF  }
0xc2: {  	_ =	task.clear_ibuf [dreg:s7], $0x2FFFF;
	_ =	strace $0x9FFFFFFF  }
0xc3: {  	(tm) =	ssettm $0x7FFFFFFF  }
tec
execute0_lowered:
.L_overlay_start_1:
0x0: {  	(tag) =	ssettag $0x1  }
0x1: {  	s6 =	rddreg [dreg:$0x0]  }
0x2: {  	s8 =	rddreg [dreg:$0x1]  }
0x3: {  	s0 =	srdreg.scid;
	s2 =	rddreg [dreg:$0x2]  }
0x4: {  	s3 =	simm.s32 $0x0;
	s15 =	simm.s32 $0x5000;
	s11 =	sand.u32 $0x1, s0  }
0x5: {  	s16 =	simm.s32 $0x1;
	s0 =	stileid.u32;
	s5 =	smul.u32 $0xA0000, s11  }
0x6: {  	s17 =	simm.s32 $0x0;
	[smem:$0x7FF] =	sst s3;
	s7 =	smul.u32 $0xA000, s0  }
0x7: {  	s4 =	sadd.s32 $0x2400, s6;
	s1 =	sshll.u32 s11, $0x4;
	s12 =	smul.u32 $0x28000, s0  }
0x8: {  	s13 =	ssub.s32 $0x2, s11;
	s31 =	sshll.u32 s0, $0x6;
	s1 =	sor.u32 s0, s1  }
0x9: {  	s11 =	sor.u32 $0x4E, s11;
	s26 =	sshrl.u32 s13, $0x1;
	s9 =	smul.u32 $0x500, s1  }
0xa: {  	s1 =	rddreg [dreg:$0x3];
	_ =	strace $0x80000047;
	s7 =	sadd.s32 s7, s5  }
0xb: {  	s5 =	sadd.s32 $0x33600, s6;
	s28 =	sshrl.u32 s12, $0x2;
	s29 =	ssub.s32 s13, s26  }
0xc: {  	s13 =	simm.s32 $0x2;
	s7 =	sshrl.u32 s7, $0x3;
	s30 =	sadd.s32 s28, s2  }
0xd: {  	s10 =	sadd.s32 s9, s6;
	s14 =	sadd.s32 s7, s6;
	s6 =	sor.u32 $0x1C02, s31  }
0xe: {  	s8 =	sadd.s32 s8, s9;
	s12 =	sshrl.u32 s30, $0x3;
	s7 =	sadd.s32 $0x29600, s10  }
0xf: {  	s9 =	sadd.s32 $0x35E00, s14;
	s10 =	smax.u32 s29, $0x1;
	s14 =	simm.s32 $0x80  }
.LBB2_1:
0x10: {  	[spmem:s12], [sflag:s6] =	dma.local [hbm:s5], $0x1400  }
0x11: {  	_ =	swait.ge [sflag:s13], $0x1400  }
0x12: {  	[sflag:s13] =	ssyncset.done $0x0  }
0x13: {  	[sflag:s13] =	ssyncadd.s32 $0xFFFFEC00  }
0x14: {  	[tilespmem:s3], [sflag:$0x2] =	stream.linear.gather [hbm4b:s7+s3], $0x2780, $0x38;
	[tilespmem:$0x13000] =	vst v63  }
0x15: {  	_ =	swait.ge [sflag:s13], $0x2780  }
0x16: {  	[sflag:s13] =	ssyncset.done $0x0  }
0x17: {  	s18 =	simm.s32 $0x2800;
	[sflag:s13] =	ssyncadd.s32 $0xFFFFD880  }
0x18: {  	[tilespmem:s18], [sflag:$0x2] =	stream.linear.gather [hbm4b:s8+s3], $0x2780, $0x38;
	[tilespmem:$0x13000] =	vst v63  }
0x19: {  	_ =	swait.ge [sflag:s13], $0x2780  }
0x1a: {  	[sflag:s13] =	ssyncset.done $0x0  }
0x1b: {  	[sflag:s13] =	ssyncadd.s32 $0xFFFFD880  }
0x1c: {  	[bflag:$0x0] =	sbarrier.arrive $0xFFFF  }
0x1d: {  	[tilespmem:s15], [sflag:$0x1] =	stream.indirect.gather [hbm4b:s4+s14], $0x80, s3, s14, $0xb8;
	[tilespmem:$0x13000] =	vst v63  }
0x1e: {  	p0 =	sne.s32 s11, $0x1;
	_ =	swait.ge [sflag:s16], $0x4000  }
.Ltmp0:
0x1f: {  	[sflag:s16] =	ssyncset.done $0x0;
	(pc) =	sbr.rel @!p0 .LBB2_3-.Ltmp0, $4  }
0x20: {  	[sflag:s16] =	ssyncadd.s32 $0xFFFFC000  }
0x21: {  	[spmem:s2] =	stream.indirect.scatter.add.f32 [tilespmem:s15], [sflag:$0x2], $0x80, s18, s14, $0xb8;
	[tilespmem:$0x13000] =	vst v63  }
0x22: {  	_ =	swait.ge [sflag:s13], $0x4000  }
0x23: {  	s19 =	sadd.s32 $0xFFFFFFFF, s11;
	s20 =	simm.s32 $0x0;
	[sflag:s13] =	ssyncset.done $0x0  }
.LBB2_2:
0x24: {  	[sflag:s13] =	ssyncadd.s32 $0xFFFFC000;
	s20 =	sadd.s32 $0x80, s20;
	s18 =	sadd.s32 $0x80, s18  }
0x25: {  	[tilespmem:s15], [sflag:$0x1] =	stream.indirect.gather [hbm4b:s4+s14], $0x80, s20, s14, $0xb8;
	[tilespmem:$0x13000] =	vst v63  }
0x26: {  	p0 =	sne.s32 s19, $0x1;
	s19 =	sadd.s32 $0xFFFFFFFF, s19;
	_ =	swait.ge [sflag:s16], $0x4000  }
.Ltmp1:
0x27: {  	[sflag:s16] =	ssyncset.done $0x0;
	(pc) =	sbr.rel @p0 .LBB2_2-.Ltmp1, $4  }
0x28: {  	[sflag:s16] =	ssyncadd.s32 $0xFFFFC000  }
0x29: {  	[spmem:s2] =	stream.indirect.scatter.add.f32 [tilespmem:s15], [sflag:$0x2], $0x80, s18, s14, $0xb8;
	[tilespmem:$0x13000] =	vst v63  }
0x2a: {  	_ =	swait.ge [sflag:s13], $0x4000  }
0x2b: {  	[sflag:s13] =	ssyncset.done $0x0  }
.LBB2_3:
0x2c: {  	s17 =	sadd.s32 $0x1, s17  }
0x2d: {  	[sflag:s13] =	ssyncadd.s32 $0xFFFFC000;
	p0 =	sne.s32 s17, s10  }
.Ltmp2:
0x2e: {  	[bflag:$0x0] =	sbarrier.arrive $0xFFFF;
	(pc) =	sbr.rel @p0 .LBB2_1-.Ltmp2, $4  }
0x2f: {  	[hbm:s9], [sflag:s6] =	dma.local [spmem:s12], $0x1400  }
0x30: {  	_ =	swait.ge [sflag:s13], $0x1400  }
0x31: {  	[sflag:s13] =	ssyncset.done $0x0  }
0x32: {  	[sflag:s13] =	ssyncadd.s32 $0xFFFFEC00  }
0x33: {  	_ =	sfence.sel $0x180000  }
0x34: {  	[bflag:$0x0] =	sbarrier.arrive $0xFFFF  }
0x35: {  	p0 =	sne.s32 s0, $0x0;
	_ =	strace $0x90000047  }
0x36: {  	s0 =	sadd.s32 @!p0 $0x100000, s1;
	[bflag:$0x2] =	sbarrier.arrive $0xFFFF  }
0x37: {  	[sflag:s0] =	ssyncadd.tile.s32 @!p0 $0x1;
	_ =	shalt  }
.Lfunc_end2:
_tile_overlayer_lowered:
.L_overlay_start_2:
0x38: {  	(tag) =	ssettag $0x2  }
0x39: {  	s0 =	rddreg [dreg:$0x0];
	s2 =	stileid.u32  }
0x3a: {  	s1 =	rddreg [dreg:$0x1];
	p0 =	sne.s32 s2, $0x0  }
0x3b: {  	s3 =	rddreg [dreg:$0x2];
	[bflag:$0x3] =	sbarrier.arrive $0xFFFF;
	s2 =	simm.s32 @!p0 $0x1C02  }
0x3c: {  	[timem:s3], [sflag:s2] =	dma.local @!p0 [hbm:s0], s1  }
0x3d: {  	s0 =	simm.s32 @!p0 $0x2  }
0x3e: {  	_ =	swait.ge @!p0 [sflag:s0], s1  }
0x3f: {  	s1 =	ssub.s32 @!p0 $0x0, s1;
	[sflag:s0] =	ssyncset.done @!p0 $0x0  }
0x40: {  	[sflag:s0] =	ssyncadd.s32 @!p0 s1  }
0x41: {  	[bflag:$0x3] =	sbarrier.arrive $0xFFFF  }
0x42: {  	_ =	shalt  }

// kernel: kernel.9.cloned.1.call-start
scs
__scs_entry_jumppad:
0x0: {  	(pc) =	sbr.rel $0x88, $3  }
0x1: {  	(tag) =	ssettag $0x0;
	lr =	simm.s32 $0x1  }
0x2: {  	[smem:$0x3F9A] =	sst lr;
	_ =	strace $0xD0000000  }
0x3: {  	_ = 	snop  }
0x4: {  	_ = 	snop  }
0x5: {  	_ = 	snop  }
0x6: {  	_ = 	snop  }
0x7: {  	_ = 	snop  }
__scs_overlays_trampoline_lowered:
0x8: {  	[smem:$0x3FA9] =	sst s0  }
0x9: {  	[smem:$0x3FAA] =	sst s1  }
0xa: {  	[smem:$0x3FAB] =	sst s2  }
0xb: {  	[smem:$0x3FAC] =	sst s3  }
0xc: {  	[smem:$0x3FAD] =	sst s4  }
0xd: {  	[smem:$0x3FAE] =	sst s5  }
0xe: {  	[smem:$0x3FAF] =	sst s6  }
0xf: {  	[smem:$0x3FB0] =	sst s7  }
0x10: {  	[smem:$0x3FB1] =	sst s8  }
0x11: {  	[smem:$0x3FB2] =	sst s9;
	s0 =	simm.s32 @!p0 $0x0  }
0x12: {  	s1 =	sld [smem:$0x3F98];
	s0 =	simm.s32 @p0 $0x1  }
0x13: {  	[smem:$0x3FB3] =	sst s0;
	s0 =	simm.s32 @!p1 $0x0  }
0x14: {  	s2 =	sld [smem:$0x3F97];
	s0 =	simm.s32 @p1 $0x1  }
0x15: {  	[smem:$0x3FB4] =	sst s0;
	s0 =	simm.s32 @!p2 $0x0  }
0x16: {  	s3 =	sld [smem:$0x3FDB];
	s0 =	simm.s32 @p2 $0x1  }
0x17: {  	s4 =	simm.s32 $0x1BF5;
	[smem:$0x3FB6] =	sst s0  }
0x18: {  	s0 =	sld [smem:$0x3F99];
	_ =	swait.ge [sflag:s4], $0x0  }
0x19: {  	s7 =	sld [smem:$0x3F9A]  }
0x1a: {  	s8 =	sadd.s32 $0xFFFFE003, lr  }
0x1b: {  	s9 =	sadd.s32 $0xFFFFFEF7, lr;
	s5 =	simm.s32 $0xFFFFFFFF;
	p2 =	slt.u32 s8, $0xFFFFF086  }
0x1c: {  	p1 =	slt.u32 s9, $0xF7A;
	s5 =	simm.s32 @!p2 $0x0  }
0x1d: {  	s5 =	simm.s32 @p1 $0x1;
	p0 =	seq.s32 s7, s2  }
0x1e: {  	s7 =	smul.u32 @!p0 $0xF7A, s2;
	p2 =	seq.s32 @!p0 s5, $0x0  }
0x1f: {  	s9 =	smul.u32 $0xF7A, s1;
	s8 =	simm.s32 @!p0 $0x1BF5;
	p2 =	por !p2, p0  }
0x20: {  	[sflag:s8] =	ssyncset.s32 @!p0 $0xFFFFF086;
	s6 =	sadd.s32 @!p0 s3, s7;
	s7 =	simm.s32 @!p0 $0x108  }
0x21: {  	s3 =	sadd.s32 s3, s9;
	s6 =	sadd.s32 @!p0 $0x88, s6;
	s7 =	simm.s32 @p2 $0x1082  }
0x22: {  	[simem:s7], [sflag:s8] =	dma.local @!p0 [hbm:s6], $0xF7A  }
0x23: {  	s9 =	sor.u32 $0xD0000000, s2;
	s6 =	simm.s32 $0x108;
	_ =	swait.ge @!p0 [sflag:s8], $0x0  }
0x24: {  	s3 =	sadd.s32 $0x88, s3;
	s6 =	simm.s32 @!p1 $0x1082;
	[sflag:s4] =	ssyncset.s32 $0xFFFFF086  }
0x25: {  	[simem:s6], [sflag:s4] =	dma.local [hbm:s3], $0xF7A  }
0x26: {  	[smem:$0x3F9A] =	sst s1;
	(tag) =	ssettag s2;
	_ =	strace s9  }
0x27: {  	s1 =	sld [smem:$0x3FAA]  }
0x28: {  	s2 =	sld [smem:$0x3FAB]  }
0x29: {  	s4 =	sld [smem:$0x3FAD]  }
0x2a: {  	p0 =	seq.s32 s5, $0x0;
	s5 =	sld [smem:$0x3FAE]  }
0x2b: {  	s6 =	sld [smem:$0x3FAF]  }
0x2c: {  	s7 =	sld [smem:$0x3FB0]  }
0x2d: {  	s3 =	simm.s32 $0x108;
	s8 =	sld [smem:$0x3FB1]  }
0x2e: {  	s3 =	simm.s32 @!p0 $0x1082;
	s9 =	sld [smem:$0x3FB2]  }
0x2f: {  	lr =	sadd.s32 s0, s3;
	s0 =	sld [smem:$0x3FA9]  }
0x30: {  	s3 =	sld [smem:$0x3FAC]  }
0x31: {  	[smem:$0x3FB5] =	sst s10  }
0x32: {  	s10 =	sld [smem:$0x3FB3];
	_ =	sdelay $0x3  }
0x33: {  	p0 =	seq.s32 s10, $0x1;
	s10 =	sld [smem:$0x3FB5];
	_ =	sdelay $0x3  }
0x34: {  	[smem:$0x3FB5] =	sst s10  }
0x35: {  	s10 =	sld [smem:$0x3FB4];
	_ =	sdelay $0x3  }
0x36: {  	p1 =	seq.s32 s10, $0x1;
	s10 =	sld [smem:$0x3FB5];
	_ =	sdelay $0x3  }
0x37: {  	[smem:$0x3FB5] =	sst s10  }
0x38: {  	s10 =	sld [smem:$0x3FB6]  }
0x39: {  	_ = 	snop;
	(pc) =	sbr.ind lr, $3  }
0x3a: {  	_ = 	snop  }
0x3b: {  	_ = 	snop  }
0x3c: {  	p2 =	seq.s32 s10, $0x1;
	s10 =	sld [smem:$0x3FB5]  }
0x3d: {  	_ =	shalt  }
0x3e: {  	_ =	shalt  }
0x3f: {  	_ =	shalt  }
0x40: {  	_ =	shalt  }
0x41: {  	_ =	shalt  }
0x42: {  	_ =	shalt  }
0x43: {  	_ =	shalt  }
0x44: {  	_ =	shalt  }
0x45: {  	_ =	shalt  }
0x46: {  	_ =	shalt  }
0x47: {  	_ =	shalt  }
0x48: {  	_ =	shalt  }
0x49: {  	_ =	shalt  }
0x4a: {  	_ =	shalt  }
0x4b: {  	_ =	shalt  }
0x4c: {  	_ =	shalt  }
0x4d: {  	_ =	shalt  }
0x4e: {  	_ =	shalt  }
0x4f: {  	_ =	shalt  }
0x50: {  	_ =	shalt  }
0x51: {  	_ =	shalt  }
0x52: {  	_ =	shalt  }
0x53: {  	_ =	shalt  }
0x54: {  	_ =	shalt  }
0x55: {  	_ =	shalt  }
0x56: {  	_ =	shalt  }
0x57: {  	_ =	shalt  }
0x58: {  	_ =	shalt  }
0x59: {  	_ =	shalt  }
0x5a: {  	_ =	shalt  }
0x5b: {  	_ =	shalt  }
0x5c: {  	_ =	shalt  }
0x5d: {  	_ =	shalt  }
0x5e: {  	_ =	shalt  }
0x5f: {  	_ =	shalt  }
0x60: {  	_ =	shalt  }
0x61: {  	_ =	shalt  }
0x62: {  	_ =	shalt  }
0x63: {  	_ =	shalt  }
0x64: {  	_ =	shalt  }
0x65: {  	_ =	shalt  }
0x66: {  	_ =	shalt  }
0x67: {  	_ =	shalt  }
0x68: {  	_ =	shalt  }
0x69: {  	_ =	shalt  }
0x6a: {  	_ =	shalt  }
0x6b: {  	_ =	shalt  }
0x6c: {  	_ =	shalt  }
0x6d: {  	_ =	shalt  }
0x6e: {  	_ =	shalt  }
0x6f: {  	_ =	shalt  }
0x70: {  	_ =	shalt  }
0x71: {  	_ =	shalt  }
0x72: {  	_ =	shalt  }
0x73: {  	_ =	shalt  }
0x74: {  	_ =	shalt  }
0x75: {  	_ =	shalt  }
0x76: {  	_ =	shalt  }
0x77: {  	_ =	shalt  }
0x78: {  	_ =	shalt  }
0x79: {  	_ =	shalt  }
0x7a: {  	_ =	shalt  }
0x7b: {  	_ =	shalt  }
0x7c: {  	_ =	shalt  }
0x7d: {  	_ =	shalt  }
0x7e: {  	_ =	shalt  }
0x7f: {  	_ =	shalt  }
0x80: {  	_ =	shalt  }
0x81: {  	_ =	shalt  }
0x82: {  	_ =	shalt  }
0x83: {  	_ =	shalt  }
0x84: {  	_ =	shalt  }
0x85: {  	_ =	shalt  }
0x86: {  	_ =	shalt  }
0x87: {  	_ =	shalt  }
.Lfunc_end0:
.L_simem_size_0:
called_computation.1_lowered:
.L_overlay_start_0:
0x88: {  	s2 =	sld [smem:$0x3FD9]  }
0x89: {  	s3 =	sld [smem:$0x3FFE];
	_ =	sdelay $0x1  }
0x8a: {  	s1 =	srdreg.scid  }
0x8b: {  	s0 =	sand.u32 $0x1, s1  }
0x8c: {  	s17 =	sshll.u32 s0, $0xA;
	s2 =	sadd.s32 s3, s2  }
0x8d: {  	s2 =	sadd.s32 s2, s17  }
0x8e: {  	[smem:$0x3FC1] =	sst s2  }
0x8f: {  	_ = 	snop  }
0x90: {  	s2 =	sld [smem:$0x3FD0];
	(tm) =	ssettm $0x1  }
0x91: {  	s18 =	sld [smem:$0x3FFB];
	_ =	sdelay $0x3  }
0x92: {  	_ =	strace s18  }
0x93: {  	s3 =	sld [smem:$0x3FFC];
	_ =	sdelay $0x3  }
0x94: {  	_ =	strace s3  }
0x95: {  	s3 =	sld [smem:$0x3FFD];
	_ =	sdelay $0x3  }
0x96: {  	_ =	strace s3  }
0x97: {  	_ =	strace $0x8FFFFFFF  }
0x98: {  	s19 =	sld [smem:$0x3FDB];
	_ =	sdelay $0x1  }
0x99: {  	s4 =	simm.s32 $_scs_section_size  }
0x9a: {  	s5 =	simm.s32 $_size__tile_overlayer_lowered;
	s6 =	simm.s32 $_tile_overlayer_lowered  }
0x9b: {  	s22 =	simm.s32 $0x1BFF;
	s21 =	sshll.u32 s6, $0x1;
	s3 =	sadd.s32 s4, s19  }
0x9c: {  	s7 =	simm.s32 $0x0;
	s20 =	sshll.u32 s5, $0x1;
	s5 =	sadd.s32 s21, s3  }
0x9d: {  	[timem:s7], [sflag:s22] =	dma.local [hbm:s5], s20  }
0x9e: {  	_ =	swait.ge [sflag:s22], s20  }
0x9f: {  	s4 =	ssub.s32 $0x0, s20;
	[sflag:s22] =	ssyncset.done $0x0  }
0xa0: {  	[sflag:s22] =	ssyncadd.s32 s4;
	_ =	sdelay $0x1  }
0xa1: {  	s23 =	simm.s32 $0x1B8B  }
0xa2: {  	_ =	swait.ge [sflag:s23], $0x1  }
0xa3: {  	[sflag:s23] =	ssyncset.done $0x0  }
0xa4: {  	s25 =	simm.s32 $0x1B8E;
	s24 =	sld [smem:$0x3FFE];
	[sflag:s23] =	ssyncadd.s32 $0xFFFFFFFF  }
0xa5: {  	s26 =	simm.s32 $execute0_lowered;
	[smem:$0x3FD2] =	sst s25  }
0xa6: {  	s5 =	sshll.u32 s26, $0x1;
	_ =	strace $0x80000049;
	[dreg:$0x1] =	wrdreg $0xFFFFFFFF  }
0xa7: {  	s28 =	simm.s32 $_size_execute0_lowered;
	s3 =	sadd.s32 s3, s5;
	[dreg:$0x0] =	wrdreg $0x0  }
0xa8: {  	s5 =	sshll.u32 s28, $0x1;
	[dreg:$0x2] =	wrdreg s3  }
0xa9: {  	[dreg:$0x3] =	wrdreg s5  }
0xaa: {  	[dreg:$0x4] =	wrdreg $0xC0  }
0xab: {  	_ =	task [dreg:s7], $0x5FFFF  }
0xac: {  	[dreg:$0x1] =	wrdreg $0xFFFFFFFF  }
0xad: {  	[dreg:$0x0] =	wrdreg $0x60  }
0xae: {  	[dreg:$0x2] =	wrdreg s2  }
0xaf: {  	[dreg:$0x3] =	wrdreg s24  }
0xb0: {  	[dreg:$0x4] =	wrdreg $0x90000  }
0xb1: {  	[dreg:$0x5] =	wrdreg $0x9  }
0xb2: {  	_ =	task.clear_ibuf [dreg:s7], $0x6FFFF;
	_ =	strace $0x90000049  }
0xb3: {  	s29 =	simm.s32 $0x9;
	_ =	strace $0x8000004B  }
0xb4: {  	_ =	swait.ge [sflag:s29], $0x1  }
0xb5: {  	[sflag:s29] =	ssyncadd.s32 $0xFFFFFFFF  }
0xb6: {  	_ =	strace $0x9000004B  }
0xb7: {  	_ =	sfence  }
0xb8: {  	s30 =	sld [smem:$0x0];
	_ =	sdelay $0x2  }
0xb9: {  	s31 =	sshll.u32 s1, $0xD;
	s1 =	sshrl.u32 s1, $0x2  }
0xba: {  	s3 =	sand.u32 $0x4000, s31;
	s1 =	sadd.s32 s1, s30  }
0xbb: {  	s0 =	sor.u32 s3, s0;
	s1 =	sshll.u32 s1, $0x11  }
0xbc: {  	s0 =	sor.u32 s1, s0  }
0xbd: {  	s0 =	sadd.s32 $0x8F2B, s0  }
0xbe: {  	[sflag:s0] =	ssyncadd.remote.s32 $0x1  }
0xbf: {  	_ =	sfence.sel $0xFFFF  }
0xc0: {  	[dreg:$0x0] =	wrdreg $0xFFFFFFFF;
	(pc) =	sbr.abs _section_cstart, $3  }
0xc1: {  	[dreg:$0x1] =	wrdreg $0xFFFFFFFF  }
0xc2: {  	_ =	task.clear_ibuf [dreg:s7], $0x2FFFF;
	_ =	strace $0x9FFFFFFF  }
0xc3: {  	(tm) =	ssettm $0x7FFFFFFF  }
tec
execute0_lowered:
.L_overlay_start_1:
0x0: {  	(tag) =	ssettag $0x1  }
0x1: {  	s1 =	rddreg [dreg:$0x0]  }
0x2: {  	s0 =	srdreg.scid;
	s6 =	rddreg [dreg:$0x1]  }
0x3: {  	s3 =	rddreg [dreg:$0x2];
	s4 =	simm.s32 $0x0;
	s14 =	simm.s32 $0x80  }
0x4: {  	s15 =	simm.s32 $0x5000;
	s16 =	simm.s32 $0x1;
	s11 =	sand.u32 $0x1, s0  }
0x5: {  	s17 =	simm.s32 $0x0;
	s0 =	stileid.u32;
	s7 =	smul.u32 $0x140000, s11  }
0x6: {  	[smem:$0x7FF] =	sst s4;
	s2 =	sshll.u32 s11, $0x4;
	s8 =	smul.u32 $0x14000, s0  }
0x7: {  	s28 =	smul.u32 $0x50000, s0;
	s10 =	ssub.s32 $0x2, s11;
	s31 =	sshll.u32 s0, $0x6  }
0x8: {  	s11 =	sor.u32 $0x4E, s11;
	s2 =	sor.u32 s0, s2;
	s29 =	sshrl.u32 s10, $0x1  }
0x9: {  	s5 =	smul.u32 $0x500, s2;
	s2 =	rddreg [dreg:$0x3];
	_ =	strace $0x8000004A  }
0xa: {  	s7 =	sadd.s32 s8, s7;
	s30 =	sshrl.u32 s28, $0x2;
	s10 =	ssub.s32 s10, s29  }
0xb: {  	s7 =	sshrl.u32 s7, $0x3;
	s13 =	sadd.s32 s30, s3;
	s10 =	smax.u32 s10, $0x1  }
0xc: {  	s9 =	sadd.s32 s5, s6;
	s5 =	sadd.s32 $0x33600, s6;
	s12 =	sadd.s32 s7, s6  }
0xd: {  	s6 =	sor.u32 $0x1C02, s31;
	s7 =	sadd.s32 $0x67E00, s9;
	s8 =	sadd.s32 $0x5DE00, s9  }
0xe: {  	s9 =	sadd.s32 $0x71E00, s12;
	s12 =	sshrl.u32 s13, $0x3;
	s13 =	simm.s32 $0x2  }
.LBB2_1:
0xf: {  	[spmem:s12], [sflag:s6] =	dma.local [hbm:s5], $0x2800  }
0x10: {  	_ =	swait.ge [sflag:s13], $0x2800  }
0x11: {  	[sflag:s13] =	ssyncset.done $0x0  }
0x12: {  	[sflag:s13] =	ssyncadd.s32 $0xFFFFD800  }
0x13: {  	[tilespmem:s4], [sflag:$0x2] =	stream.linear.gather [hbm4b:s7+s4], $0x2780, $0x38;
	[tilespmem:$0x1D000] =	vst v63  }
0x14: {  	_ =	swait.ge [sflag:s13], $0x2780  }
0x15: {  	[sflag:s13] =	ssyncset.done $0x0  }
0x16: {  	s18 =	simm.s32 $0x2800;
	[sflag:s13] =	ssyncadd.s32 $0xFFFFD880  }
0x17: {  	[tilespmem:s18], [sflag:$0x2] =	stream.linear.gather [hbm4b:s8+s4], $0x2780, $0x38;
	[tilespmem:$0x1D000] =	vst v63  }
0x18: {  	_ =	swait.ge [sflag:s13], $0x2780  }
0x19: {  	[sflag:s13] =	ssyncset.done $0x0  }
0x1a: {  	[sflag:s13] =	ssyncadd.s32 $0xFFFFD880  }
0x1b: {  	[bflag:$0x0] =	sbarrier.arrive $0xFFFF  }
0x1c: {  	[tilespmem:s15], [sflag:$0x1] =	stream.indirect.gather [hbm4b:s1+s14], $0x80, s4, s14, $0xb8;
	[tilespmem:$0x1D000] =	vst v63  }
0x1d: {  	p0 =	sne.s32 s11, $0x1;
	_ =	swait.ge [sflag:s16], $0x4000  }
.Ltmp0:
0x1e: {  	[sflag:s16] =	ssyncset.done $0x0;
	(pc) =	sbr.rel @!p0 .LBB2_3-.Ltmp0, $4  }
0x1f: {  	[sflag:s16] =	ssyncadd.s32 $0xFFFFC000  }
0x20: {  	[spmem:s3] =	stream.indirect.scatter.add.f32 [tilespmem:s15], [sflag:$0x2], $0x80, s18, s14, $0xb8;
	[tilespmem:$0x1D000] =	vst v63  }
0x21: {  	_ =	swait.ge [sflag:s13], $0x4000  }
0x22: {  	s19 =	sadd.s32 $0xFFFFFFFF, s11;
	s20 =	simm.s32 $0x0;
	[sflag:s13] =	ssyncset.done $0x0  }
.LBB2_2:
0x23: {  	[sflag:s13] =	ssyncadd.s32 $0xFFFFC000;
	s20 =	sadd.s32 $0x80, s20;
	s18 =	sadd.s32 $0x80, s18  }
0x24: {  	[tilespmem:s15], [sflag:$0x1] =	stream.indirect.gather [hbm4b:s1+s14], $0x80, s20, s14, $0xb8;
	[tilespmem:$0x1D000] =	vst v63  }
0x25: {  	p0 =	sne.s32 s19, $0x1;
	s19 =	sadd.s32 $0xFFFFFFFF, s19;
	_ =	swait.ge [sflag:s16], $0x4000  }
.Ltmp1:
0x26: {  	[sflag:s16] =	ssyncset.done $0x0;
	(pc) =	sbr.rel @p0 .LBB2_2-.Ltmp1, $4  }
0x27: {  	[sflag:s16] =	ssyncadd.s32 $0xFFFFC000  }
0x28: {  	[spmem:s3] =	stream.indirect.scatter.add.f32 [tilespmem:s15], [sflag:$0x2], $0x80, s18, s14, $0xb8;
	[tilespmem:$0x1D000] =	vst v63  }
0x29: {  	_ =	swait.ge [sflag:s13], $0x4000  }
0x2a: {  	[sflag:s13] =	ssyncset.done $0x0  }
.LBB2_3:
0x2b: {  	s17 =	sadd.s32 $0x1, s17  }
0x2c: {  	[sflag:s13] =	ssyncadd.s32 $0xFFFFC000;
	p0 =	sne.s32 s17, s10  }
.Ltmp2:
0x2d: {  	[bflag:$0x0] =	sbarrier.arrive $0xFFFF;
	(pc) =	sbr.rel @p0 .LBB2_1-.Ltmp2, $4  }
0x2e: {  	[hbm:s9], [sflag:s6] =	dma.local [spmem:s12], $0x2800  }
0x2f: {  	_ =	swait.ge [sflag:s13], $0x2800  }
0x30: {  	[sflag:s13] =	ssyncset.done $0x0  }
0x31: {  	[sflag:s13] =	ssyncadd.s32 $0xFFFFD800  }
0x32: {  	_ =	sfence.sel $0x180000  }
0x33: {  	[bflag:$0x0] =	sbarrier.arrive $0xFFFF  }
0x34: {  	p0 =	sne.s32 s0, $0x0;
	_ =	strace $0x9000004A  }
0x35: {  	s0 =	sadd.s32 @!p0 $0x100000, s2;
	[bflag:$0x2] =	sbarrier.arrive $0xFFFF  }
0x36: {  	[sflag:s0] =	ssyncadd.tile.s32 @!p0 $0x1;
	_ =	shalt  }
.Lfunc_end2:
_tile_overlayer_lowered:
.L_overlay_start_2:
0x37: {  	(tag) =	ssettag $0x2  }
0x38: {  	s0 =	rddreg [dreg:$0x0];
	s2 =	stileid.u32  }
0x39: {  	s1 =	rddreg [dreg:$0x1];
	p0 =	sne.s32 s2, $0x0  }
0x3a: {  	s3 =	rddreg [dreg:$0x2];
	[bflag:$0x3] =	sbarrier.arrive $0xFFFF;
	s2 =	simm.s32 @!p0 $0x1C02  }
0x3b: {  	[timem:s3], [sflag:s2] =	dma.local @!p0 [hbm:s0], s1  }
0x3c: {  	s0 =	simm.s32 @!p0 $0x2  }
0x3d: {  	_ =	swait.ge @!p0 [sflag:s0], s1  }
0x3e: {  	s1 =	ssub.s32 @!p0 $0x0, s1;
	[sflag:s0] =	ssyncset.done @!p0 $0x0  }
0x3f: {  	[sflag:s0] =	ssyncadd.s32 @!p0 s1  }
0x40: {  	[bflag:$0x3] =	sbarrier.arrive $0xFFFF  }
0x41: {  	_ =	shalt  }

</sc_bundles>
